<compile_context>
chip_gen: v7x
topology: tpu7x:2x2x1
jax: 0.10.2.dev20260603
libtpu: 0.0.44.dev20260713+nightly
codegen_flags: <defaults>
</compile_context>

<pallas_src>
import functools

import jax
import jax.numpy as jnp
from jax import lax
from jax.experimental import pallas as pl
from jax.experimental.pallas import tpu as pltpu
from jax.experimental.pallas import tpu_sc as plsc

K = 300
KPAD = 320
CAND = 320
CHUNK = 128
B, N, NCLS, DMEM = 16, 8192, 80, 256
INT_MIN32 = -2147483648


def _rowmax_body(cls_ref, out_ref, pad_ref):
    x = cls_ref[0]
    out_ref[0, 0, :] = jnp.max(x, axis=-1)
    pad_ref[0] = jnp.concatenate(
        [x, jnp.zeros((N // 4, 128 - NCLS), jnp.float32)], axis=-1)


def _row_max(cls):
    return pl.pallas_call(
        _rowmax_body,
        grid=(B * 4,),
        in_specs=[pl.BlockSpec((1, N // 4, NCLS), lambda i: (i // 4, i % 4, 0))],
        out_specs=[pl.BlockSpec((1, 1, N // 4), lambda i: (i, 0, 0)),
                   pl.BlockSpec((1, N // 4, 128), lambda i: (i // 4, i % 4, 0))],
        out_shape=[jax.ShapeDtypeStruct((B * 4, 1, N // 4), jnp.float32),
                   jax.ShapeDtypeStruct((B, N, 128), jnp.float32)],
    )(cls)


def _radix_body(cm_ref, ts_ref):
    x = cm_ref[...]
    kb = lax.bitcast_convert_type(x, jnp.int32)
    m = jnp.where(kb < 0, kb ^ jnp.int32(0x7FFFFFFF), kb)
    tb = jnp.zeros((B, 1), jnp.int32)
    mn = jnp.int32(INT_MIN32)

    def _count(t):
        return jnp.sum((m >= (t ^ mn)).astype(jnp.int32), axis=1, keepdims=True)

    for hi in range(31, 0, -2):
        b1 = mn if hi == 31 else jnp.int32(1 << hi)
        b0 = jnp.int32(1 << (hi - 1))
        c10, c01, c11 = tb | b1, tb | b0, tb | b1 | b0
        n10, n01, n11 = _count(c10), _count(c01), _count(c11)
        tb = jnp.where(n10 >= K,
                       jnp.where(n11 >= K, c11, c10),
                       jnp.where(n01 >= K, c01, tb))
    ts_ref[...] = tb ^ mn


def _radix(cm):
    return pl.pallas_call(
        _radix_body,
        out_shape=jax.ShapeDtypeStruct((B, 1), jnp.int32),
    )(cm)


def _topk_body(cm_ref, coordt_ref, ts_ref, idx_ref, refp_ref, bbox_ref):
    b = pl.program_id(0)
    x = cm_ref[0]
    kb = lax.bitcast_convert_type(x, jnp.int32)
    m = jnp.where(kb < 0, kb ^ jnp.int32(0x7FFFFFFF), kb)
    m2 = m.reshape(64, 128)
    ts = ts_ref[0]
    flag2 = m2 >= ts
    fl2 = flag2.astype(jnp.float32)
    count_ge = jnp.sum(fl2)

    lt128 = (lax.broadcasted_iota(jnp.int32, (128, 128), 0)
             < lax.broadcasted_iota(jnp.int32, (128, 128), 1)).astype(jnp.float32)
    ex = jnp.dot(fl2, lt128, preferred_element_type=jnp.float32)
    rows = jnp.sum(fl2, axis=1, keepdims=True)
    ltt64 = (lax.broadcasted_iota(jnp.int32, (64, 64), 1)
             < lax.broadcasted_iota(jnp.int32, (64, 64), 0)).astype(jnp.float32)
    rowex = jnp.dot(ltt64, rows, preferred_element_type=jnp.float32)
    pos2 = rowex + ex
    posm = jnp.where(flag2, pos2, -1.0).reshape(1, N)

    gidxf = (lax.broadcasted_iota(jnp.int32, (1, N), 1)
             + b * N).astype(jnp.float32)
    vt = jnp.concatenate([x, gidxf, coordt_ref[0]], axis=0)

    jio = lax.broadcasted_iota(jnp.int32, (CAND, N // 8), 0).astype(jnp.float32)
    acc = jnp.zeros((CAND, 6), jnp.float32)
    for c in range(8):
        sl = slice(c * (N // 8), (c + 1) * (N // 8))
        p = (jio == posm[:, sl]).astype(jnp.float32)
        acc = acc + lax.dot_general(p, vt[:, sl], (((1,), (1,)), ((), ())),
                                    precision=lax.Precision.HIGHEST,
                                    preferred_element_type=jnp.float32)

    slotc = lax.broadcasted_iota(jnp.int32, (CAND, 1), 0).astype(jnp.float32)
    valid = slotc < count_ge
    cval = jnp.where(valid, acc[:, 0:1], -jnp.inf)
    cidx = jnp.where(valid, acc[:, 1:2], jnp.float32(2 * B * N))

    eye = (lax.broadcasted_iota(jnp.int32, (CAND, CAND), 0)
           == lax.broadcasted_iota(jnp.int32, (CAND, CAND), 1)).astype(jnp.float32)
    avr = lax.dot_general(acc[:, 0:1], eye, (((0,), (0,)), ((), ())),
                          precision=lax.Precision.HIGHEST,
                          preferred_element_type=jnp.float32)
    air = lax.dot_general(acc[:, 1:2], eye, (((0,), (0,)), ((), ())),
                          precision=lax.Precision.HIGHEST,
                          preferred_element_type=jnp.float32)
    validr = (lax.broadcasted_iota(jnp.int32, (1, CAND), 1)
              .astype(jnp.float32) < count_ge)
    cvalr = jnp.where(validr, avr, -jnp.inf)
    cidxr = jnp.where(validr, air, jnp.float32(2 * B * N))

    gt = (cvalr > cval) | ((cvalr == cval) & (cidxr < cidx))
    cnt2 = jnp.sum((gt & validr).astype(jnp.float32), axis=1, keepdims=True)
    rank = jnp.where(valid, cnt2, jnp.float32(CAND))

    oh = (rank == lax.broadcasted_iota(jnp.int32, (CAND, KPAD), 1)
          .astype(jnp.float32)).astype(jnp.float32)
    v2 = jnp.concatenate([cidx, acc[:, 2:6]], axis=1)
    out5 = lax.dot_general(v2, oh, (((0,), (0,)), ((), ())),
                           precision=lax.Precision.HIGHEST,
                           preferred_element_type=jnp.float32)
    idx_ref[0] = out5[0:1, :].astype(jnp.int32)
    rp = out5[1:5, :]
    refp_ref[0] = rp
    bbox_ref[0] = jax.nn.sigmoid(rp)


def _topk(cm16, coordt, ts16):
    return pl.pallas_call(
        _topk_body,
        grid=(B,),
        in_specs=[pl.BlockSpec((1, 1, N), lambda i: (i, 0, 0)),
                  pl.BlockSpec((1, 4, N), lambda i: (i, 0, 0)),
                  pl.BlockSpec((1, 1, 1), lambda i: (i, 0, 0))],
        out_specs=[pl.BlockSpec((1, 1, KPAD), lambda i: (i, 0, 0)),
                   pl.BlockSpec((1, 4, KPAD), lambda i: (i, 0, 0)),
                   pl.BlockSpec((1, 4, KPAD), lambda i: (i, 0, 0))],
        out_shape=[jax.ShapeDtypeStruct((B, 1, KPAD), jnp.int32),
                   jax.ShapeDtypeStruct((B, 4, KPAD), jnp.float32),
                   jax.ShapeDtypeStruct((B, 4, KPAD), jnp.float32)],
    )(cm16, coordt, ts16)


def _sc_gather(flat_idx, cls3, mem2):
    info = plsc.get_sparse_core_info()
    nw = info.num_cores * info.num_subcores
    lanes = info.num_lanes
    tot = B * KPAD
    bpw = tot // nw
    nch = -(-bpw // 128)
    cw = bpw // nch
    mesh = plsc.VectorSubcoreMesh(core_axis_name="c", subcore_axis_name="s")

    @functools.partial(
        pl.kernel, mesh=mesh,
        out_type=[jax.ShapeDtypeStruct((tot, 128), jnp.float32),
                  jax.ShapeDtypeStruct((tot, DMEM), jnp.float32)],
        scratch_types=[pltpu.VMEM((bpw,), jnp.int32),
                       pltpu.VMEM((bpw, 128), jnp.float32),
                       pltpu.VMEM((bpw, DMEM), jnp.float32),
                       pltpu.SemaphoreType.DMA,
                       pltpu.SemaphoreType.DMA],
    )
    def gk(idx_hbm, cls_hbm, mem_hbm, ocls_hbm, omem_hbm,
           idx_v, crows, mrows, sem_c, sem_m):
        wid = lax.axis_index("s") * info.num_cores + lax.axis_index("c")
        base = wid * bpw
        pltpu.sync_copy(idx_hbm.at[pl.ds(base, bpw)], idx_v)
        cps = []
        for c in range(nch):
            sl = pl.ds(c * cw, cw)
            cps.append(pltpu.async_copy(cls_hbm.at[idx_v.at[sl]], crows.at[sl], sem_c))
            cps.append(pltpu.async_copy(mem_hbm.at[idx_v.at[sl]], mrows.at[sl], sem_m))
        for cp in cps:
            cp.wait()
        pltpu.sync_copy(crows, ocls_hbm.at[pl.ds(base, bpw)])
        pltpu.sync_copy(mrows, omem_hbm.at[pl.ds(base, bpw)])

    return gk(flat_idx, cls3, mem2)


def kernel(enc_outputs_class, enc_outputs_coord_logits_plus_anchors,
           output_memory, sources_last_element):
    cm3, clspad = _row_max(enc_outputs_class)
    cm16 = cm3.reshape(B, 1, N)
    ts16 = _radix(cm3.reshape(B, N)).reshape(B, 1, 1)
    coordt = jnp.transpose(enc_outputs_coord_logits_plus_anchors, (0, 2, 1))
    idxp, refp, bbox = _topk(cm16, coordt, ts16)
    flat_idx = idxp.reshape(B * KPAD)
    logits_p, target_p = _sc_gather(
        flat_idx,
        clspad.reshape(B * N, 128),
        output_memory.reshape(B * N, DMEM))
    init_reference_points = jnp.transpose(refp, (0, 2, 1))[:, :K]
    enc_topk_bboxes = jnp.transpose(bbox, (0, 2, 1))[:, :K]
    enc_topk_logits = logits_p.reshape(B, KPAD, 128)[:, :K, :NCLS]
    target = target_p.reshape(B, KPAD, DMEM)[:, :K]
    return (init_reference_points, target, enc_topk_logits, enc_topk_bboxes)

# --- scband reference (transcript-rebuilt; emitter-appended) ---
"""Pipeline reference for scband-dfine-initial-query-and-reference-generator-8839042695533 (READ-ONLY COPY).

The authoritative reference and input builder live on the scoring server;
editing this copy changes nothing except your own understanding.
"""

import jax, jax.numpy as jnp
import numpy as np

NUM_QUERIES = 300

def setup_inputs(seed: int = 0) -> dict:
    key = jax.random.key(seed)
    k1, k2, k3, k4 = jax.random.split(key, 4)
    enc_outputs_class = jax.random.normal(k1, (16, 8192, 80), dtype=jnp.float32)
    enc_outputs_coord_logits_plus_anchors = jax.random.normal(k2, (16, 8192, 4), dtype=jnp.float32)
    output_memory = jax.random.normal(k3, (16, 8192, 256), dtype=jnp.float32)
    sources_last_element = jax.random.normal(k4, (16, 256, 16, 16), dtype=jnp.float32)
    return {
        'enc_outputs_class': enc_outputs_class,
        'enc_outputs_coord_logits_plus_anchors': enc_outputs_coord_logits_plus_anchors,
        'output_memory': output_memory,
        'sources_last_element': sources_last_element,
    }

def reference(enc_outputs_class, enc_outputs_coord_logits_plus_anchors, output_memory, sources_last_element):
    # max over class dim, then top-k over anchors
    enc_outputs_class_max = jnp.max(enc_outputs_class, axis=-1)  # [B, N]
    _, topk_ind = jax.lax.top_k(enc_outputs_class_max, NUM_QUERIES)  # [B, K], sorted
    # per-batch gather along anchor axis (keras.ops.map(gather_batch, ...))
    reference_points_unact = jnp.take_along_axis(
        enc_outputs_coord_logits_plus_anchors, topk_ind[:, :, None], axis=1)  # [B, K, 4]
    enc_topk_logits = jnp.take_along_axis(
        enc_outputs_class, topk_ind[:, :, None], axis=1)  # [B, K, 80]
    enc_topk_bboxes = jax.nn.sigmoid(reference_points_unact)
    # learn_initial_query=False: target gathered from output_memory, stop-gradient
    target = jnp.take_along_axis(output_memory, topk_ind[:, :, None], axis=1)  # [B, K, 256]
    target = jax.lax.stop_gradient(target)
    init_reference_points = jax.lax.stop_gradient(reference_points_unact)
    return (init_reference_points, target, enc_topk_logits, enc_topk_bboxes)

if __name__ == "__main__":
    import jax
    _d = setup_inputs()
    print(jax.jit(kernel)(*tuple(_d.values())))

</pallas_src>

<mosaic_0001>
#map = affine_map<(d0, d1) -> (0)>
#map1 = affine_map<(d0, d1) -> (0, 0)>
module attributes {stable_mosaic.version = 14 : i64} {
  func.func @gk(%arg0: i32, %arg1: i32, %arg2: memref<5120xi32, #tpu.memory_space<hbm>>, %arg3: memref<131072x128xf32, #tpu.memory_space<hbm>>, %arg4: memref<131072x256xf32, #tpu.memory_space<hbm>>, %arg5: memref<5120x128xf32, #tpu.memory_space<hbm>>, %arg6: memref<5120x256xf32, #tpu.memory_space<hbm>>, %arg7: memref<160xi32, #tpu.memory_space<vmem>>, %arg8: memref<160x128xf32, #tpu.memory_space<vmem>>, %arg9: memref<160x256xf32, #tpu.memory_space<vmem>>, %arg10: memref<!tpu.dma_semaphore, #tpu.memory_space<semaphore_mem>>, %arg11: memref<!tpu.dma_semaphore, #tpu.memory_space<semaphore_mem>>) attributes {dimension_semantics = [#tpu.dimension_semantics<core_parallel>, #tpu.dimension_semantics<subcore_parallel>], iteration_bounds = array<i64: 2, 16>, scalar_prefetch = 0 : i64, scratch_operands = 5 : i64, tpu.core_type = #tpu.core_type<sc_vector_subcore>, window_params = [{transform_indices = #map}, {transform_indices = #map1}, {transform_indices = #map1}, {transform_indices = #map1}, {transform_indices = #map1}]} {
    %mul3A = arith.constant 2 : i32
    %mul3A_0 = arith.muli %arg1, %mul3A : i32
    %add3A = arith.addi %mul3A_0, %arg0 : i32
    %mul3A_1 = arith.constant 160 : i32
    %mul3A_2 = arith.muli %add3A, %mul3A_1 : i32
    "tpu.region"() ({
      %run_scoped3A = tpu.sem_alloc : memref<!tpu.dma_semaphore, #tpu.memory_space<semaphore_mem>>
      %dma_start3A_65 = tpu.memref_slice %arg2[%mul3A_2] : memref<5120xi32, #tpu.memory_space<hbm>> -> memref<160xi32, #tpu.memory_space<hbm>>
      %dma_start3A_66 = tpu.memref_slice %arg2[%mul3A_2] : memref<5120xi32, #tpu.memory_space<hbm>> -> memref<160xi32, #tpu.memory_space<hbm>>
      tpu.enqueue_dma source(%dma_start3A_66 : memref<160xi32, #tpu.memory_space<hbm>>) target(%arg7 : memref<160xi32, #tpu.memory_space<vmem>>) target_semaphore(%run_scoped3A : memref<!tpu.dma_semaphore, #tpu.memory_space<semaphore_mem>>)
      %dma_wait3A_67 = tpu.memref_slice %arg2[%mul3A_2] : memref<5120xi32, #tpu.memory_space<hbm>> -> memref<160xi32, #tpu.memory_space<hbm>>
      %dma_wait3A_68 = tpu.memref_slice %arg2[%mul3A_2] : memref<5120xi32, #tpu.memory_space<hbm>> -> memref<160xi32, #tpu.memory_space<hbm>>
      tpu.wait_dma2 semaphore(%run_scoped3A : memref<!tpu.dma_semaphore, #tpu.memory_space<semaphore_mem>>) src(%dma_wait3A_68 : memref<160xi32, #tpu.memory_space<hbm>>) dst(%arg7 : memref<160xi32, #tpu.memory_space<vmem>>)
      tpu.yield
    }) : () -> ()
    %dma_start3A = arith.constant 0 : i32
    %dma_start3A_3 = arith.constant 0 : i32
    %dma_start3A_4 = tpu.memref_slice %arg8[%dma_start3A, %dma_start3A_3] : memref<160x128xf32, #tpu.memory_space<vmem>> -> memref<80x128xf32, #tpu.memory_space<vmem>>
    %dma_start3A_5 = arith.constant 0 : i32
    %dma_start3A_6 = tpu.memref_slice %arg7[%dma_start3A_5] : memref<160xi32, #tpu.memory_space<vmem>> -> memref<80xi32, #tpu.memory_space<vmem>>
    %dma_start3A_7 = arith.constant 0 : i32
    %dma_start3A_8 = arith.constant 0 : i32
    %dma_start3A_9 = tpu.memref_slice %arg3[%dma_start3A_7, %dma_start3A_8] : memref<131072x128xf32, #tpu.memory_space<hbm>> -> memref<131072x128xf32, #tpu.memory_space<hbm>>
    tpu.enqueue_indirect_dma source(%dma_start3A_9 : memref<131072x128xf32, #tpu.memory_space<hbm>>) target(%dma_start3A_4 : memref<80x128xf32, #tpu.memory_space<vmem>>) offsets(%dma_start3A_6 : memref<80xi32, #tpu.memory_space<vmem>>) semaphore(%arg10 : memref<!tpu.dma_semaphore, #tpu.memory_space<semaphore_mem>>)
    %dma_start3A_10 = arith.constant 0 : i32
    %dma_start3A_11 = arith.constant 0 : i32
    %dma_start3A_12 = tpu.memref_slice %arg9[%dma_start3A_10, %dma_start3A_11] : memref<160x256xf32, #tpu.memory_space<vmem>> -> memref<80x256xf32, #tpu.memory_space<vmem>>
    %dma_start3A_13 = arith.constant 0 : i32
    %dma_start3A_14 = tpu.memref_slice %arg7[%dma_start3A_13] : memref<160xi32, #tpu.memory_space<vmem>> -> memref<80xi32, #tpu.memory_space<vmem>>
    %dma_start3A_15 = arith.constant 0 : i32
    %dma_start3A_16 = arith.constant 0 : i32
    %dma_start3A_17 = tpu.memref_slice %arg4[%dma_start3A_15, %dma_start3A_16] : memref<131072x256xf32, #tpu.memory_space<hbm>> -> memref<131072x256xf32, #tpu.memory_space<hbm>>
    tpu.enqueue_indirect_dma source(%dma_start3A_17 : memref<131072x256xf32, #tpu.memory_space<hbm>>) target(%dma_start3A_12 : memref<80x256xf32, #tpu.memory_space<vmem>>) offsets(%dma_start3A_14 : memref<80xi32, #tpu.memory_space<vmem>>) semaphore(%arg11 : memref<!tpu.dma_semaphore, #tpu.memory_space<semaphore_mem>>)
    %dma_start3A_18 = arith.constant 80 : i32
    %dma_start3A_19 = arith.constant 0 : i32
    %dma_start3A_20 = tpu.memref_slice %arg8[%dma_start3A_18, %dma_start3A_19] : memref<160x128xf32, #tpu.memory_space<vmem>> -> memref<80x128xf32, #tpu.memory_space<vmem>>
    %dma_start3A_21 = arith.constant 80 : i32
    %dma_start3A_22 = tpu.memref_slice %arg7[%dma_start3A_21] : memref<160xi32, #tpu.memory_space<vmem>> -> memref<80xi32, #tpu.memory_space<vmem>>
    %dma_start3A_23 = arith.constant 0 : i32
    %dma_start3A_24 = arith.constant 0 : i32
    %dma_start3A_25 = tpu.memref_slice %arg3[%dma_start3A_23, %dma_start3A_24] : memref<131072x128xf32, #tpu.memory_space<hbm>> -> memref<131072x128xf32, #tpu.memory_space<hbm>>
    tpu.enqueue_indirect_dma source(%dma_start3A_25 : memref<131072x128xf32, #tpu.memory_space<hbm>>) target(%dma_start3A_20 : memref<80x128xf32, #tpu.memory_space<vmem>>) offsets(%dma_start3A_22 : memref<80xi32, #tpu.memory_space<vmem>>) semaphore(%arg10 : memref<!tpu.dma_semaphore, #tpu.memory_space<semaphore_mem>>)
    %dma_start3A_26 = arith.constant 80 : i32
    %dma_start3A_27 = arith.constant 0 : i32
    %dma_start3A_28 = tpu.memref_slice %arg9[%dma_start3A_26, %dma_start3A_27] : memref<160x256xf32, #tpu.memory_space<vmem>> -> memref<80x256xf32, #tpu.memory_space<vmem>>
    %dma_start3A_29 = arith.constant 80 : i32
    %dma_start3A_30 = tpu.memref_slice %arg7[%dma_start3A_29] : memref<160xi32, #tpu.memory_space<vmem>> -> memref<80xi32, #tpu.memory_space<vmem>>
    %dma_start3A_31 = arith.constant 0 : i32
    %dma_start3A_32 = arith.constant 0 : i32
    %dma_start3A_33 = tpu.memref_slice %arg4[%dma_start3A_31, %dma_start3A_32] : memref<131072x256xf32, #tpu.memory_space<hbm>> -> memref<131072x256xf32, #tpu.memory_space<hbm>>
    tpu.enqueue_indirect_dma source(%dma_start3A_33 : memref<131072x256xf32, #tpu.memory_space<hbm>>) target(%dma_start3A_28 : memref<80x256xf32, #tpu.memory_space<vmem>>) offsets(%dma_start3A_30 : memref<80xi32, #tpu.memory_space<vmem>>) semaphore(%arg11 : memref<!tpu.dma_semaphore, #tpu.memory_space<semaphore_mem>>)
    %dma_wait3A = arith.constant 0 : i32
    %dma_wait3A_34 = arith.constant 0 : i32
    %dma_wait3A_35 = tpu.memref_slice %arg8[%dma_wait3A, %dma_wait3A_34] : memref<160x128xf32, #tpu.memory_space<vmem>> -> memref<80x128xf32, #tpu.memory_space<vmem>>
    %dma_wait3A_36 = arith.constant 0 : i32
    %dma_wait3A_37 = tpu.memref_slice %arg7[%dma_wait3A_36] : memref<160xi32, #tpu.memory_space<vmem>> -> memref<80xi32, #tpu.memory_space<vmem>>
    %dma_wait3A_38 = arith.constant 0 : i32
    %dma_wait3A_39 = arith.constant 0 : i32
    %dma_wait3A_40 = tpu.memref_slice %arg3[%dma_wait3A_38, %dma_wait3A_39] : memref<131072x128xf32, #tpu.memory_space<hbm>> -> memref<131072x128xf32, #tpu.memory_space<hbm>>
    tpu.wait_indirect_dma semaphore(%arg10 : memref<!tpu.dma_semaphore, #tpu.memory_space<semaphore_mem>>) src(%dma_wait3A_40 : memref<131072x128xf32, #tpu.memory_space<hbm>>) dst(%dma_wait3A_35 : memref<80x128xf32, #tpu.memory_space<vmem>>)
    %dma_wait3A_41 = arith.constant 0 : i32
    %dma_wait3A_42 = arith.constant 0 : i32
    %dma_wait3A_43 = tpu.memref_slice %arg9[%dma_wait3A_41, %dma_wait3A_42] : memref<160x256xf32, #tpu.memory_space<vmem>> -> memref<80x256xf32, #tpu.memory_space<vmem>>
    %dma_wait3A_44 = arith.constant 0 : i32
    %dma_wait3A_45 = tpu.memref_slice %arg7[%dma_wait3A_44] : memref<160xi32, #tpu.memory_space<vmem>> -> memref<80xi32, #tpu.memory_space<vmem>>
    %dma_wait3A_46 = arith.constant 0 : i32
    %dma_wait3A_47 = arith.constant 0 : i32
    %dma_wait3A_48 = tpu.memref_slice %arg4[%dma_wait3A_46, %dma_wait3A_47] : memref<131072x256xf32, #tpu.memory_space<hbm>> -> memref<131072x256xf32, #tpu.memory_space<hbm>>
    tpu.wait_indirect_dma semaphore(%arg11 : memref<!tpu.dma_semaphore, #tpu.memory_space<semaphore_mem>>) src(%dma_wait3A_48 : memref<131072x256xf32, #tpu.memory_space<hbm>>) dst(%dma_wait3A_43 : memref<80x256xf32, #tpu.memory_space<vmem>>)
    %dma_wait3A_49 = arith.constant 80 : i32
    %dma_wait3A_50 = arith.constant 0 : i32
    %dma_wait3A_51 = tpu.memref_slice %arg8[%dma_wait3A_49, %dma_wait3A_50] : memref<160x128xf32, #tpu.memory_space<vmem>> -> memref<80x128xf32, #tpu.memory_space<vmem>>
    %dma_wait3A_52 = arith.constant 80 : i32
    %dma_wait3A_53 = tpu.memref_slice %arg7[%dma_wait3A_52] : memref<160xi32, #tpu.memory_space<vmem>> -> memref<80xi32, #tpu.memory_space<vmem>>
    %dma_wait3A_54 = arith.constant 0 : i32
    %dma_wait3A_55 = arith.constant 0 : i32
    %dma_wait3A_56 = tpu.memref_slice %arg3[%dma_wait3A_54, %dma_wait3A_55] : memref<131072x128xf32, #tpu.memory_space<hbm>> -> memref<131072x128xf32, #tpu.memory_space<hbm>>
    tpu.wait_indirect_dma semaphore(%arg10 : memref<!tpu.dma_semaphore, #tpu.memory_space<semaphore_mem>>) src(%dma_wait3A_56 : memref<131072x128xf32, #tpu.memory_space<hbm>>) dst(%dma_wait3A_51 : memref<80x128xf32, #tpu.memory_space<vmem>>)
    %dma_wait3A_57 = arith.constant 80 : i32
    %dma_wait3A_58 = arith.constant 0 : i32
    %dma_wait3A_59 = tpu.memref_slice %arg9[%dma_wait3A_57, %dma_wait3A_58] : memref<160x256xf32, #tpu.memory_space<vmem>> -> memref<80x256xf32, #tpu.memory_space<vmem>>
    %dma_wait3A_60 = arith.constant 80 : i32
    %dma_wait3A_61 = tpu.memref_slice %arg7[%dma_wait3A_60] : memref<160xi32, #tpu.memory_space<vmem>> -> memref<80xi32, #tpu.memory_space<vmem>>
    %dma_wait3A_62 = arith.constant 0 : i32
    %dma_wait3A_63 = arith.constant 0 : i32
    %dma_wait3A_64 = tpu.memref_slice %arg4[%dma_wait3A_62, %dma_wait3A_63] : memref<131072x256xf32, #tpu.memory_space<hbm>> -> memref<131072x256xf32, #tpu.memory_space<hbm>>
    tpu.wait_indirect_dma semaphore(%arg11 : memref<!tpu.dma_semaphore, #tpu.memory_space<semaphore_mem>>) src(%dma_wait3A_64 : memref<131072x256xf32, #tpu.memory_space<hbm>>) dst(%dma_wait3A_59 : memref<80x256xf32, #tpu.memory_space<vmem>>)
    "tpu.region"() ({
      %run_scoped3A = tpu.sem_alloc : memref<!tpu.dma_semaphore, #tpu.memory_space<semaphore_mem>>
      %dma_start3A_65 = arith.constant 0 : i32
      %dma_start3A_66 = tpu.memref_slice %arg5[%mul3A_2, %dma_start3A_65] : memref<5120x128xf32, #tpu.memory_space<hbm>> -> memref<160x128xf32, #tpu.memory_space<hbm>>
      %dma_start3A_67 = arith.constant 0 : i32
      %dma_start3A_68 = tpu.memref_slice %arg5[%mul3A_2, %dma_start3A_67] : memref<5120x128xf32, #tpu.memory_space<hbm>> -> memref<160x128xf32, #tpu.memory_space<hbm>>
      tpu.enqueue_dma source(%arg8 : memref<160x128xf32, #tpu.memory_space<vmem>>) target(%dma_start3A_68 : memref<160x128xf32, #tpu.memory_space<hbm>>) target_semaphore(%run_scoped3A : memref<!tpu.dma_semaphore, #tpu.memory_space<semaphore_mem>>)
      %dma_wait3A_69 = arith.constant 0 : i32
      %dma_wait3A_70 = tpu.memref_slice %arg5[%mul3A_2, %dma_wait3A_69] : memref<5120x128xf32, #tpu.memory_space<hbm>> -> memref<160x128xf32, #tpu.memory_space<hbm>>
      %dma_wait3A_71 = arith.constant 0 : i32
      %dma_wait3A_72 = tpu.memref_slice %arg5[%mul3A_2, %dma_wait3A_71] : memref<5120x128xf32, #tpu.memory_space<hbm>> -> memref<160x128xf32, #tpu.memory_space<hbm>>
      tpu.wait_dma2 semaphore(%run_scoped3A : memref<!tpu.dma_semaphore, #tpu.memory_space<semaphore_mem>>) src(%arg8 : memref<160x128xf32, #tpu.memory_space<vmem>>) dst(%dma_wait3A_72 : memref<160x128xf32, #tpu.memory_space<hbm>>)
      tpu.yield
    }) : () -> ()
    "tpu.region"() ({
      %run_scoped3A = tpu.sem_alloc : memref<!tpu.dma_semaphore, #tpu.memory_space<semaphore_mem>>
      %dma_start3A_65 = arith.constant 0 : i32
      %dma_start3A_66 = tpu.memref_slice %arg6[%mul3A_2, %dma_start3A_65] : memref<5120x256xf32, #tpu.memory_space<hbm>> -> memref<160x256xf32, #tpu.memory_space<hbm>>
      %dma_start3A_67 = arith.constant 0 : i32
      %dma_start3A_68 = tpu.memref_slice %arg6[%mul3A_2, %dma_start3A_67] : memref<5120x256xf32, #tpu.memory_space<hbm>> -> memref<160x256xf32, #tpu.memory_space<hbm>>
      tpu.enqueue_dma source(%arg9 : memref<160x256xf32, #tpu.memory_space<vmem>>) target(%dma_start3A_68 : memref<160x256xf32, #tpu.memory_space<hbm>>) target_semaphore(%run_scoped3A : memref<!tpu.dma_semaphore, #tpu.memory_space<semaphore_mem>>)
      %dma_wait3A_69 = arith.constant 0 : i32
      %dma_wait3A_70 = tpu.memref_slice %arg6[%mul3A_2, %dma_wait3A_69] : memref<5120x256xf32, #tpu.memory_space<hbm>> -> memref<160x256xf32, #tpu.memory_space<hbm>>
      %dma_wait3A_71 = arith.constant 0 : i32
      %dma_wait3A_72 = tpu.memref_slice %arg6[%mul3A_2, %dma_wait3A_71] : memref<5120x256xf32, #tpu.memory_space<hbm>> -> memref<160x256xf32, #tpu.memory_space<hbm>>
      tpu.wait_dma2 semaphore(%run_scoped3A : memref<!tpu.dma_semaphore, #tpu.memory_space<semaphore_mem>>) src(%arg9 : memref<160x256xf32, #tpu.memory_space<vmem>>) dst(%dma_wait3A_72 : memref<160x256xf32, #tpu.memory_space<hbm>>)
      tpu.yield
    }) : () -> ()
    return
  }
}

module attributes {stable_mosaic.version = 14 : i64} {
  func.func @_rowmax_body(%arg0: i32, %arg1: memref<1x2048x80xf32, #tpu.memory_space<vmem>>, %arg2: memref<1x1x2048xf32, #tpu.memory_space<vmem>>, %arg3: memref<1x2048x128xf32, #tpu.memory_space<vmem>>) attributes {dimension_semantics = [#tpu.dimension_semantics<arbitrary>], iteration_bounds = array<i64: 64>, scalar_prefetch = 0 : i64, scratch_operands = 0 : i64, tpu.core_type = #tpu.core_type<tc>, window_params = [{transform_indices = @transform_0, window_bounds = array<i64: 1, 2048, 80>}, {transform_indices = @transform_1, window_bounds = array<i64: 1, 1, 2048>}, {transform_indices = @transform_2, window_bounds = array<i64: 1, 2048, 128>}]} {
    %get3A = arith.constant 0 : index
    %get3A_0 = arith.constant 0 : index
    %get3A_1 = arith.constant 0 : index
    %get3A_2 = vector.load %arg1[%get3A, %get3A_0, %get3A_1] : memref<1x2048x80xf32, #tpu.memory_space<vmem>>, vector<1x2048x80xf32>
    %get3A_3 = vector.shape_cast %get3A_2 : vector<1x2048x80xf32> to vector<2048x80xf32>
    %reduce_max3A = arith.constant dense<0xFF800000> : vector<2048xf32>
    %reduce_max3A_4 = vector.multi_reduction <maximumf>, %get3A_3, %reduce_max3A [1] : vector<2048x80xf32> to vector<2048xf32>
    %swap3A = arith.constant 0 : index
    %swap3A_5 = arith.constant 0 : index
    %swap3A_6 = arith.constant 0 : index
    %swap3A_7 = vector.load %arg2[%swap3A, %swap3A_5, %swap3A_6] : memref<1x1x2048xf32, #tpu.memory_space<vmem>>, vector<1x1x2048xf32>
    %swap3A_8 = vector.shape_cast %swap3A_7 : vector<1x1x2048xf32> to vector<2048xf32>
    %swap3A_9 = vector.shape_cast %reduce_max3A_4 : vector<2048xf32> to vector<1x1x2048xf32>
    tpu.vector_store %arg2[%swap3A, %swap3A_5, %swap3A_6], %swap3A_9 {strides = array<i32>} : memref<1x1x2048xf32, #tpu.memory_space<vmem>>, vector<1x1x2048xf32>,
    %broadcast_in_dim3A = arith.constant 0.000000e+00 : f32
    %broadcast_in_dim3A_10 = vector.broadcast %broadcast_in_dim3A : f32 to vector<2048x48xf32>
    %concatenate3A = tpu.concatenate %get3A_3, %broadcast_in_dim3A_10 in 1 : vector<2048x80xf32>, vector<2048x48xf32> -> vector<2048x128xf32>
    %swap3A_11 = arith.constant 0 : index
    %swap3A_12 = arith.constant 0 : index
    %swap3A_13 = arith.constant 0 : index
    %swap3A_14 = vector.load %arg3[%swap3A_11, %swap3A_12, %swap3A_13] : memref<1x2048x128xf32, #tpu.memory_space<vmem>>, vector<1x2048x128xf32>
    %swap3A_15 = vector.shape_cast %swap3A_14 : vector<1x2048x128xf32> to vector<2048x128xf32>
    %swap3A_16 = vector.shape_cast %concatenate3A : vector<2048x128xf32> to vector<1x2048x128xf32>
    tpu.vector_store %arg3[%swap3A_11, %swap3A_12, %swap3A_13], %swap3A_16 {strides = array<i32>} : memref<1x2048x128xf32, #tpu.memory_space<vmem>>, vector<1x2048x128xf32>,
    return
  }
  func.func @transform_0(%arg0: i32) -> (i32, i32, i32) {
    %jit3A = arith.constant 4 : i32
    %div3A = arith.divsi %arg0, %jit3A : i32
    %sign3A = arith.constant 0 : i32
    %sign3A_0 = arith.cmpi sgt, %arg0, %sign3A : i32
    %sign3A_1 = arith.extui %sign3A_0 : i1 to i32
    %sign3A_2 = arith.constant 0 : i32
    %sign3A_3 = arith.cmpi slt, %arg0, %sign3A_2 : i32
    %sign3A_4 = arith.extui %sign3A_3 : i1 to i32
    %sign3A_5 = arith.subi %sign3A_1, %sign3A_4 : i32
    %sign3A_6 = arith.constant 0 : i32
    %sign3A_7 = arith.cmpi sgt, %jit3A, %sign3A_6 : i32
    %sign3A_8 = arith.extui %sign3A_7 : i1 to i32
    %sign3A_9 = arith.constant 0 : i32
    %sign3A_10 = arith.cmpi slt, %jit3A, %sign3A_9 : i32
    %sign3A_11 = arith.extui %sign3A_10 : i1 to i32
    %sign3A_12 = arith.subi %sign3A_8, %sign3A_11 : i32
    %ne3A = arith.cmpi ne, %sign3A_5, %sign3A_12 : i32
    %rem3A = arith.remsi %arg0, %jit3A : i32
    %ne3A_13 = arith.constant 0 : i32
    %ne3A_14 = arith.cmpi ne, %rem3A, %ne3A_13 : i32
    %and3A = arith.andi %ne3A, %ne3A_14 : i1
    %sub3A = arith.constant 1 : i32
    %sub3A_15 = arith.subi %div3A, %sub3A : i32
    %select_n3A = arith.select %and3A, %sub3A_15, %div3A : i32
    %jit3A_16 = arith.constant 4 : i32
    %eq3A = arith.constant 0 : i32
    %eq3A_17 = arith.cmpi eq, %jit3A_16, %eq3A : i32
    %jit3A_18 = arith.constant 1 : i32
    %select_n3A_19 = arith.select %eq3A_17, %jit3A_18, %jit3A_16 : i32
    %rem3A_20 = arith.remsi %arg0, %select_n3A_19 : i32
    %ne3A_21 = arith.constant 0 : i32
    %ne3A_22 = arith.cmpi ne, %rem3A_20, %ne3A_21 : i32
    %lt3A = arith.constant 0 : i32
    %lt3A_23 = arith.cmpi slt, %rem3A_20, %lt3A : i32
    %lt3A_24 = arith.constant 0 : i32
    %lt3A_25 = arith.cmpi slt, %select_n3A_19, %lt3A_24 : i32
    %ne3A_26 = arith.xori %lt3A_23, %lt3A_25 : i1
    %and3A_27 = arith.andi %ne3A_26, %ne3A_22 : i1
    %add3A = arith.addi %rem3A_20, %select_n3A_19 : i32
    %select_n3A_28 = arith.select %and3A_27, %add3A, %rem3A_20 : i32
    %c0_i32 = arith.constant 0 : i32
    %c0_i32_29 = arith.constant 0 : i32
    return %select_n3A, %select_n3A_28, %c0_i32 : i32, i32, i32
  }
  func.func @transform_1(%arg0: i32) -> (i32, i32, i32) {
    %c0_i32 = arith.constant 0 : i32
    %c0_i32_0 = arith.constant 0 : i32
    %c0_i32_1 = arith.constant 0 : i32
    return %arg0, %c0_i32, %c0_i32_0 : i32, i32, i32
  }
  func.func @transform_2(%arg0: i32) -> (i32, i32, i32) {
    %jit3A = arith.constant 4 : i32
    %div3A = arith.divsi %arg0, %jit3A : i32
    %sign3A = arith.constant 0 : i32
    %sign3A_0 = arith.cmpi sgt, %arg0, %sign3A : i32
    %sign3A_1 = arith.extui %sign3A_0 : i1 to i32
    %sign3A_2 = arith.constant 0 : i32
    %sign3A_3 = arith.cmpi slt, %arg0, %sign3A_2 : i32
    %sign3A_4 = arith.extui %sign3A_3 : i1 to i32
    %sign3A_5 = arith.subi %sign3A_1, %sign3A_4 : i32
    %sign3A_6 = arith.constant 0 : i32
    %sign3A_7 = arith.cmpi sgt, %jit3A, %sign3A_6 : i32
    %sign3A_8 = arith.extui %sign3A_7 : i1 to i32
    %sign3A_9 = arith.constant 0 : i32
    %sign3A_10 = arith.cmpi slt, %jit3A, %sign3A_9 : i32
    %sign3A_11 = arith.extui %sign3A_10 : i1 to i32
    %sign3A_12 = arith.subi %sign3A_8, %sign3A_11 : i32
    %ne3A = arith.cmpi ne, %sign3A_5, %sign3A_12 : i32
    %rem3A = arith.remsi %arg0, %jit3A : i32
    %ne3A_13 = arith.constant 0 : i32
    %ne3A_14 = arith.cmpi ne, %rem3A, %ne3A_13 : i32
    %and3A = arith.andi %ne3A, %ne3A_14 : i1
    %sub3A = arith.constant 1 : i32
    %sub3A_15 = arith.subi %div3A, %sub3A : i32
    %select_n3A = arith.select %and3A, %sub3A_15, %div3A : i32
    %jit3A_16 = arith.constant 4 : i32
    %eq3A = arith.constant 0 : i32
    %eq3A_17 = arith.cmpi eq, %jit3A_16, %eq3A : i32
    %jit3A_18 = arith.constant 1 : i32
    %select_n3A_19 = arith.select %eq3A_17, %jit3A_18, %jit3A_16 : i32
    %rem3A_20 = arith.remsi %arg0, %select_n3A_19 : i32
    %ne3A_21 = arith.constant 0 : i32
    %ne3A_22 = arith.cmpi ne, %rem3A_20, %ne3A_21 : i32
    %lt3A = arith.constant 0 : i32
    %lt3A_23 = arith.cmpi slt, %rem3A_20, %lt3A : i32
    %lt3A_24 = arith.constant 0 : i32
    %lt3A_25 = arith.cmpi slt, %select_n3A_19, %lt3A_24 : i32
    %ne3A_26 = arith.xori %lt3A_23, %lt3A_25 : i1
    %and3A_27 = arith.andi %ne3A_26, %ne3A_22 : i1
    %add3A = arith.addi %rem3A_20, %select_n3A_19 : i32
    %select_n3A_28 = arith.select %and3A_27, %add3A, %rem3A_20 : i32
    %c0_i32 = arith.constant 0 : i32
    %c0_i32_29 = arith.constant 0 : i32
    return %select_n3A, %select_n3A_28, %c0_i32 : i32, i32, i32
  }
}

module attributes {stable_mosaic.version = 14 : i64} {
  func.func @_radix_body(%arg0: memref<16x8192xf32, #tpu.memory_space<vmem>>, %arg1: memref<16x1xi32, #tpu.memory_space<vmem>>) attributes {dimension_semantics = [], scalar_prefetch = 0 : i64, scratch_operands = 0 : i64, tpu.core_type = #tpu.core_type<tc>} {
    %get3A = arith.constant 0 : index
    %get3A_0 = arith.constant 0 : index
    %get3A_1 = vector.load %arg0[%get3A, %get3A_0] : memref<16x8192xf32, #tpu.memory_space<vmem>>, vector<16x8192xf32>
    %bitcast_convert_type3A = tpu.bitcast %get3A_1 : vector<16x8192xf32> -> vector<16x8192xi32>
    %lt3A = arith.constant 0 : i32
    %lt3A_2 = vector.broadcast %lt3A : i32 to vector<16x8192xi32>
    %lt3A_3 = arith.cmpi slt, %bitcast_convert_type3A, %lt3A_2 : vector<16x8192xi32>
    %xor3A = arith.constant 2147483647 : i32
    %xor3A_4 = vector.broadcast %xor3A : i32 to vector<16x8192xi32>
    %xor3A_5 = arith.xori %bitcast_convert_type3A, %xor3A_4 : vector<16x8192xi32>
    %select_n3A = arith.select %lt3A_3, %xor3A_5, %bitcast_convert_type3A : vector<16x8192xi1>, vector<16x8192xi32>
    %broadcast_in_dim3A = arith.constant 0 : i32
    %broadcast_in_dim3A_6 = vector.broadcast %broadcast_in_dim3A : i32 to vector<16x1xi32>
    %or3A = arith.constant -2147483648 : i32
    %or3A_7 = vector.broadcast %or3A : i32 to vector<16x1xi32>
    %or3A_8 = arith.ori %broadcast_in_dim3A_6, %or3A_7 : vector<16x1xi32>
    %or3A_9 = arith.constant 1073741824 : i32
    %or3A_10 = vector.broadcast %or3A_9 : i32 to vector<16x1xi32>
    %or3A_11 = arith.ori %broadcast_in_dim3A_6, %or3A_10 : vector<16x1xi32>
    %or3A_12 = arith.constant -2147483648 : i32
    %or3A_13 = vector.broadcast %or3A_12 : i32 to vector<16x1xi32>
    %or3A_14 = arith.ori %broadcast_in_dim3A_6, %or3A_13 : vector<16x1xi32>
    %or3A_15 = arith.constant 1073741824 : i32
    %or3A_16 = vector.broadcast %or3A_15 : i32 to vector<16x1xi32>
    %or3A_17 = arith.ori %or3A_14, %or3A_16 : vector<16x1xi32>
    %xor3A_18 = arith.constant -2147483648 : i32
    %xor3A_19 = vector.broadcast %xor3A_18 : i32 to vector<16x1xi32>
    %xor3A_20 = arith.xori %or3A_8, %xor3A_19 : vector<16x1xi32>
    %ge3A = vector.broadcast %xor3A_20 : vector<16x1xi32> to vector<16x8192xi32>
    %ge3A_21 = arith.cmpi sge, %select_n3A, %ge3A : vector<16x8192xi32>
    %convert_element_type3A = arith.extui %ge3A_21 : vector<16x8192xi1> to vector<16x8192xi32>
    %reduce_sum3A = arith.constant dense<0> : vector<16xi32>
    %reduce_sum3A_22 = vector.multi_reduction <add>, %convert_element_type3A, %reduce_sum3A [1] : vector<16x8192xi32> to vector<16xi32>
    %broadcast_in_dim3A_23 = vector.shape_cast %reduce_sum3A_22 : vector<16xi32> to vector<16x1xi32>
    %xor3A_24 = arith.constant -2147483648 : i32
    %xor3A_25 = vector.broadcast %xor3A_24 : i32 to vector<16x1xi32>
    %xor3A_26 = arith.xori %or3A_11, %xor3A_25 : vector<16x1xi32>
    %ge3A_27 = vector.broadcast %xor3A_26 : vector<16x1xi32> to vector<16x8192xi32>
    %ge3A_28 = arith.cmpi sge, %select_n3A, %ge3A_27 : vector<16x8192xi32>
    %convert_element_type3A_29 = arith.extui %ge3A_28 : vector<16x8192xi1> to vector<16x8192xi32>
    %reduce_sum3A_30 = arith.constant dense<0> : vector<16xi32>
    %reduce_sum3A_31 = vector.multi_reduction <add>, %convert_element_type3A_29, %reduce_sum3A_30 [1] : vector<16x8192xi32> to vector<16xi32>
    %broadcast_in_dim3A_32 = vector.shape_cast %reduce_sum3A_31 : vector<16xi32> to vector<16x1xi32>
    %xor3A_33 = arith.constant -2147483648 : i32
    %xor3A_34 = vector.broadcast %xor3A_33 : i32 to vector<16x1xi32>
    %xor3A_35 = arith.xori %or3A_17, %xor3A_34 : vector<16x1xi32>
    %ge3A_36 = vector.broadcast %xor3A_35 : vector<16x1xi32> to vector<16x8192xi32>
    %ge3A_37 = arith.cmpi sge, %select_n3A, %ge3A_36 : vector<16x8192xi32>
    %convert_element_type3A_38 = arith.extui %ge3A_37 : vector<16x8192xi1> to vector<16x8192xi32>
    %reduce_sum3A_39 = arith.constant dense<0> : vector<16xi32>
    %reduce_sum3A_40 = vector.multi_reduction <add>, %convert_element_type3A_38, %reduce_sum3A_39 [1] : vector<16x8192xi32> to vector<16xi32>
    %broadcast_in_dim3A_41 = vector.shape_cast %reduce_sum3A_40 : vector<16xi32> to vector<16x1xi32>
    %ge3A_42 = arith.constant 300 : i32
    %ge3A_43 = vector.broadcast %ge3A_42 : i32 to vector<16x1xi32>
    %ge3A_44 = arith.cmpi sge, %broadcast_in_dim3A_23, %ge3A_43 : vector<16x1xi32>
    %ge3A_45 = arith.constant 300 : i32
    %ge3A_46 = vector.broadcast %ge3A_45 : i32 to vector<16x1xi32>
    %ge3A_47 = arith.cmpi sge, %broadcast_in_dim3A_41, %ge3A_46 : vector<16x1xi32>
    %select_n3A_48 = arith.select %ge3A_47, %or3A_17, %or3A_8 : vector<16x1xi1>, vector<16x1xi32>
    %ge3A_49 = arith.constant 300 : i32
    %ge3A_50 = vector.broadcast %ge3A_49 : i32 to vector<16x1xi32>
    %ge3A_51 = arith.cmpi sge, %broadcast_in_dim3A_32, %ge3A_50 : vector<16x1xi32>
    %select_n3A_52 = arith.select %ge3A_51, %or3A_11, %broadcast_in_dim3A_6 : vector<16x1xi1>, vector<16x1xi32>
    %select_n3A_53 = arith.select %ge3A_44, %select_n3A_48, %select_n3A_52 : vector<16x1xi1>, vector<16x1xi32>
    %or3A_54 = arith.constant 536870912 : i32
    %or3A_55 = vector.broadcast %or3A_54 : i32 to vector<16x1xi32>
    %or3A_56 = arith.ori %select_n3A_53, %or3A_55 : vector<16x1xi32>
    %or3A_57 = arith.constant 268435456 : i32
    %or3A_58 = vector.broadcast %or3A_57 : i32 to vector<16x1xi32>
    %or3A_59 = arith.ori %select_n3A_53, %or3A_58 : vector<16x1xi32>
    %or3A_60 = arith.constant 536870912 : i32
    %or3A_61 = vector.broadcast %or3A_60 : i32 to vector<16x1xi32>
    %or3A_62 = arith.ori %select_n3A_53, %or3A_61 : vector<16x1xi32>
    %or3A_63 = arith.constant 268435456 : i32
    %or3A_64 = vector.broadcast %or3A_63 : i32 to vector<16x1xi32>
    %or3A_65 = arith.ori %or3A_62, %or3A_64 : vector<16x1xi32>
    %xor3A_66 = arith.constant -2147483648 : i32
    %xor3A_67 = vector.broadcast %xor3A_66 : i32 to vector<16x1xi32>
    %xor3A_68 = arith.xori %or3A_56, %xor3A_67 : vector<16x1xi32>
    %ge3A_69 = vector.broadcast %xor3A_68 : vector<16x1xi32> to vector<16x8192xi32>
    %ge3A_70 = arith.cmpi sge, %select_n3A, %ge3A_69 : vector<16x8192xi32>
    %convert_element_type3A_71 = arith.extui %ge3A_70 : vector<16x8192xi1> to vector<16x8192xi32>
    %reduce_sum3A_72 = arith.constant dense<0> : vector<16xi32>
    %reduce_sum3A_73 = vector.multi_reduction <add>, %convert_element_type3A_71, %reduce_sum3A_72 [1] : vector<16x8192xi32> to vector<16xi32>
    %broadcast_in_dim3A_74 = vector.shape_cast %reduce_sum3A_73 : vector<16xi32> to vector<16x1xi32>
    %xor3A_75 = arith.constant -2147483648 : i32
    %xor3A_76 = vector.broadcast %xor3A_75 : i32 to vector<16x1xi32>
    %xor3A_77 = arith.xori %or3A_59, %xor3A_76 : vector<16x1xi32>
    %ge3A_78 = vector.broadcast %xor3A_77 : vector<16x1xi32> to vector<16x8192xi32>
    %ge3A_79 = arith.cmpi sge, %select_n3A, %ge3A_78 : vector<16x8192xi32>
    %convert_element_type3A_80 = arith.extui %ge3A_79 : vector<16x8192xi1> to vector<16x8192xi32>
    %reduce_sum3A_81 = arith.constant dense<0> : vector<16xi32>
    %reduce_sum3A_82 = vector.multi_reduction <add>, %convert_element_type3A_80, %reduce_sum3A_81 [1] : vector<16x8192xi32> to vector<16xi32>
    %broadcast_in_dim3A_83 = vector.shape_cast %reduce_sum3A_82 : vector<16xi32> to vector<16x1xi32>
    %xor3A_84 = arith.constant -2147483648 : i32
    %xor3A_85 = vector.broadcast %xor3A_84 : i32 to vector<16x1xi32>
    %xor3A_86 = arith.xori %or3A_65, %xor3A_85 : vector<16x1xi32>
    %ge3A_87 = vector.broadcast %xor3A_86 : vector<16x1xi32> to vector<16x8192xi32>
    %ge3A_88 = arith.cmpi sge, %select_n3A, %ge3A_87 : vector<16x8192xi32>
    %convert_element_type3A_89 = arith.extui %ge3A_88 : vector<16x8192xi1> to vector<16x8192xi32>
    %reduce_sum3A_90 = arith.constant dense<0> : vector<16xi32>
    %reduce_sum3A_91 = vector.multi_reduction <add>, %convert_element_type3A_89, %reduce_sum3A_90 [1] : vector<16x8192xi32> to vector<16xi32>
    %broadcast_in_dim3A_92 = vector.shape_cast %reduce_sum3A_91 : vector<16xi32> to vector<16x1xi32>
    %ge3A_93 = arith.constant 300 : i32
    %ge3A_94 = vector.broadcast %ge3A_93 : i32 to vector<16x1xi32>
    %ge3A_95 = arith.cmpi sge, %broadcast_in_dim3A_74, %ge3A_94 : vector<16x1xi32>
    %ge3A_96 = arith.constant 300 : i32
    %ge3A_97 = vector.broadcast %ge3A_96 : i32 to vector<16x1xi32>
    %ge3A_98 = arith.cmpi sge, %broadcast_in_dim3A_92, %ge3A_97 : vector<16x1xi32>
    %select_n3A_99 = arith.select %ge3A_98, %or3A_65, %or3A_56 : vector<16x1xi1>, vector<16x1xi32>
    %ge3A_100 = arith.constant 300 : i32
    %ge3A_101 = vector.broadcast %ge3A_100 : i32 to vector<16x1xi32>
    %ge3A_102 = arith.cmpi sge, %broadcast_in_dim3A_83, %ge3A_101 : vector<16x1xi32>
    %select_n3A_103 = arith.select %ge3A_102, %or3A_59, %select_n3A_53 : vector<16x1xi1>, vector<16x1xi32>
    %select_n3A_104 = arith.select %ge3A_95, %select_n3A_99, %select_n3A_103 : vector<16x1xi1>, vector<16x1xi32>
    %or3A_105 = arith.constant 134217728 : i32
    %or3A_106 = vector.broadcast %or3A_105 : i32 to vector<16x1xi32>
    %or3A_107 = arith.ori %select_n3A_104, %or3A_106 : vector<16x1xi32>
    %or3A_108 = arith.constant 67108864 : i32
    %or3A_109 = vector.broadcast %or3A_108 : i32 to vector<16x1xi32>
    %or3A_110 = arith.ori %select_n3A_104, %or3A_109 : vector<16x1xi32>
    %or3A_111 = arith.constant 134217728 : i32
    %or3A_112 = vector.broadcast %or3A_111 : i32 to vector<16x1xi32>
    %or3A_113 = arith.ori %select_n3A_104, %or3A_112 : vector<16x1xi32>
    %or3A_114 = arith.constant 67108864 : i32
    %or3A_115 = vector.broadcast %or3A_114 : i32 to vector<16x1xi32>
    %or3A_116 = arith.ori %or3A_113, %or3A_115 : vector<16x1xi32>
    %xor3A_117 = arith.constant -2147483648 : i32
    %xor3A_118 = vector.broadcast %xor3A_117 : i32 to vector<16x1xi32>
    %xor3A_119 = arith.xori %or3A_107, %xor3A_118 : vector<16x1xi32>
    %ge3A_120 = vector.broadcast %xor3A_119 : vector<16x1xi32> to vector<16x8192xi32>
    %ge3A_121 = arith.cmpi sge, %select_n3A, %ge3A_120 : vector<16x8192xi32>
    %convert_element_type3A_122 = arith.extui %ge3A_121 : vector<16x8192xi1> to vector<16x8192xi32>
    %reduce_sum3A_123 = arith.constant dense<0> : vector<16xi32>
    %reduce_sum3A_124 = vector.multi_reduction <add>, %convert_element_type3A_122, %reduce_sum3A_123 [1] : vector<16x8192xi32> to vector<16xi32>
    %broadcast_in_dim3A_125 = vector.shape_cast %reduce_sum3A_124 : vector<16xi32> to vector<16x1xi32>
    %xor3A_126 = arith.constant -2147483648 : i32
    %xor3A_127 = vector.broadcast %xor3A_126 : i32 to vector<16x1xi32>
    %xor3A_128 = arith.xori %or3A_110, %xor3A_127 : vector<16x1xi32>
    %ge3A_129 = vector.broadcast %xor3A_128 : vector<16x1xi32> to vector<16x8192xi32>
    %ge3A_130 = arith.cmpi sge, %select_n3A, %ge3A_129 : vector<16x8192xi32>
    %convert_element_type3A_131 = arith.extui %ge3A_130 : vector<16x8192xi1> to vector<16x8192xi32>
    %reduce_sum3A_132 = arith.constant dense<0> : vector<16xi32>
    %reduce_sum3A_133 = vector.multi_reduction <add>, %convert_element_type3A_131, %reduce_sum3A_132 [1] : vector<16x8192xi32> to vector<16xi32>
    %broadcast_in_dim3A_134 = vector.shape_cast %reduce_sum3A_133 : vector<16xi32> to vector<16x1xi32>
    %xor3A_135 = arith.constant -2147483648 : i32
    %xor3A_136 = vector.broadcast %xor3A_135 : i32 to vector<16x1xi32>
    %xor3A_137 = arith.xori %or3A_116, %xor3A_136 : vector<16x1xi32>
    %ge3A_138 = vector.broadcast %xor3A_137 : vector<16x1xi32> to vector<16x8192xi32>
    %ge3A_139 = arith.cmpi sge, %select_n3A, %ge3A_138 : vector<16x8192xi32>
    %convert_element_type3A_140 = arith.extui %ge3A_139 : vector<16x8192xi1> to vector<16x8192xi32>
    %reduce_sum3A_141 = arith.constant dense<0> : vector<16xi32>
    %reduce_sum3A_142 = vector.multi_reduction <add>, %convert_element_type3A_140, %reduce_sum3A_141 [1] : vector<16x8192xi32> to vector<16xi32>
    %broadcast_in_dim3A_143 = vector.shape_cast %reduce_sum3A_142 : vector<16xi32> to vector<16x1xi32>
    %ge3A_144 = arith.constant 300 : i32
    %ge3A_145 = vector.broadcast %ge3A_144 : i32 to vector<16x1xi32>
    %ge3A_146 = arith.cmpi sge, %broadcast_in_dim3A_125, %ge3A_145 : vector<16x1xi32>
    %ge3A_147 = arith.constant 300 : i32
    %ge3A_148 = vector.broadcast %ge3A_147 : i32 to vector<16x1xi32>
    %ge3A_149 = arith.cmpi sge, %broadcast_in_dim3A_143, %ge3A_148 : vector<16x1xi32>
    %select_n3A_150 = arith.select %ge3A_149, %or3A_116, %or3A_107 : vector<16x1xi1>, vector<16x1xi32>
    %ge3A_151 = arith.constant 300 : i32
    %ge3A_152 = vector.broadcast %ge3A_151 : i32 to vector<16x1xi32>
    %ge3A_153 = arith.cmpi sge, %broadcast_in_dim3A_134, %ge3A_152 : vector<16x1xi32>
    %select_n3A_154 = arith.select %ge3A_153, %or3A_110, %select_n3A_104 : vector<16x1xi1>, vector<16x1xi32>
    %select_n3A_155 = arith.select %ge3A_146, %select_n3A_150, %select_n3A_154 : vector<16x1xi1>, vector<16x1xi32>
    %or3A_156 = arith.constant 33554432 : i32
    %or3A_157 = vector.broadcast %or3A_156 : i32 to vector<16x1xi32>
    %or3A_158 = arith.ori %select_n3A_155, %or3A_157 : vector<16x1xi32>
    %or3A_159 = arith.constant 16777216 : i32
    %or3A_160 = vector.broadcast %or3A_159 : i32 to vector<16x1xi32>
    %or3A_161 = arith.ori %select_n3A_155, %or3A_160 : vector<16x1xi32>
    %or3A_162 = arith.constant 33554432 : i32
    %or3A_163 = vector.broadcast %or3A_162 : i32 to vector<16x1xi32>
    %or3A_164 = arith.ori %select_n3A_155, %or3A_163 : vector<16x1xi32>
    %or3A_165 = arith.constant 16777216 : i32
    %or3A_166 = vector.broadcast %or3A_165 : i32 to vector<16x1xi32>
    %or3A_167 = arith.ori %or3A_164, %or3A_166 : vector<16x1xi32>
    %xor3A_168 = arith.constant -2147483648 : i32
    %xor3A_169 = vector.broadcast %xor3A_168 : i32 to vector<16x1xi32>
    %xor3A_170 = arith.xori %or3A_158, %xor3A_169 : vector<16x1xi32>
    %ge3A_171 = vector.broadcast %xor3A_170 : vector<16x1xi32> to vector<16x8192xi32>
    %ge3A_172 = arith.cmpi sge, %select_n3A, %ge3A_171 : vector<16x8192xi32>
    %convert_element_type3A_173 = arith.extui %ge3A_172 : vector<16x8192xi1> to vector<16x8192xi32>
    %reduce_sum3A_174 = arith.constant dense<0> : vector<16xi32>
    %reduce_sum3A_175 = vector.multi_reduction <add>, %convert_element_type3A_173, %reduce_sum3A_174 [1] : vector<16x8192xi32> to vector<16xi32>
    %broadcast_in_dim3A_176 = vector.shape_cast %reduce_sum3A_175 : vector<16xi32> to vector<16x1xi32>
    %xor3A_177 = arith.constant -2147483648 : i32
    %xor3A_178 = vector.broadcast %xor3A_177 : i32 to vector<16x1xi32>
    %xor3A_179 = arith.xori %or3A_161, %xor3A_178 : vector<16x1xi32>
    %ge3A_180 = vector.broadcast %xor3A_179 : vector<16x1xi32> to vector<16x8192xi32>
    %ge3A_181 = arith.cmpi sge, %select_n3A, %ge3A_180 : vector<16x8192xi32>
    %convert_element_type3A_182 = arith.extui %ge3A_181 : vector<16x8192xi1> to vector<16x8192xi32>
    %reduce_sum3A_183 = arith.constant dense<0> : vector<16xi32>
    %reduce_sum3A_184 = vector.multi_reduction <add>, %convert_element_type3A_182, %reduce_sum3A_183 [1] : vector<16x8192xi32> to vector<16xi32>
    %broadcast_in_dim3A_185 = vector.shape_cast %reduce_sum3A_184 : vector<16xi32> to vector<16x1xi32>
    %xor3A_186 = arith.constant -2147483648 : i32
    %xor3A_187 = vector.broadcast %xor3A_186 : i32 to vector<16x1xi32>
    %xor3A_188 = arith.xori %or3A_167, %xor3A_187 : vector<16x1xi32>
    %ge3A_189 = vector.broadcast %xor3A_188 : vector<16x1xi32> to vector<16x8192xi32>
    %ge3A_190 = arith.cmpi sge, %select_n3A, %ge3A_189 : vector<16x8192xi32>
    %convert_element_type3A_191 = arith.extui %ge3A_190 : vector<16x8192xi1> to vector<16x8192xi32>
    %reduce_sum3A_192 = arith.constant dense<0> : vector<16xi32>
    %reduce_sum3A_193 = vector.multi_reduction <add>, %convert_element_type3A_191, %reduce_sum3A_192 [1] : vector<16x8192xi32> to vector<16xi32>
    %broadcast_in_dim3A_194 = vector.shape_cast %reduce_sum3A_193 : vector<16xi32> to vector<16x1xi32>
    %ge3A_195 = arith.constant 300 : i32
    %ge3A_196 = vector.broadcast %ge3A_195 : i32 to vector<16x1xi32>
    %ge3A_197 = arith.cmpi sge, %broadcast_in_dim3A_176, %ge3A_196 : vector<16x1xi32>
    %ge3A_198 = arith.constant 300 : i32
    %ge3A_199 = vector.broadcast %ge3A_198 : i32 to vector<16x1xi32>
    %ge3A_200 = arith.cmpi sge, %broadcast_in_dim3A_194, %ge3A_199 : vector<16x1xi32>
    %select_n3A_201 = arith.select %ge3A_200, %or3A_167, %or3A_158 : vector<16x1xi1>, vector<16x1xi32>
    %ge3A_202 = arith.constant 300 : i32
    %ge3A_203 = vector.broadcast %ge3A_202 : i32 to vector<16x1xi32>
    %ge3A_204 = arith.cmpi sge, %broadcast_in_dim3A_185, %ge3A_203 : vector<16x1xi32>
    %select_n3A_205 = arith.select %ge3A_204, %or3A_161, %select_n3A_155 : vector<16x1xi1>, vector<16x1xi32>
    %select_n3A_206 = arith.select %ge3A_197, %select_n3A_201, %select_n3A_205 : vector<16x1xi1>, vector<16x1xi32>
    %or3A_207 = arith.constant 8388608 : i32
    %or3A_208 = vector.broadcast %or3A_207 : i32 to vector<16x1xi32>
    %or3A_209 = arith.ori %select_n3A_206, %or3A_208 : vector<16x1xi32>
    %or3A_210 = arith.constant 4194304 : i32
    %or3A_211 = vector.broadcast %or3A_210 : i32 to vector<16x1xi32>
    %or3A_212 = arith.ori %select_n3A_206, %or3A_211 : vector<16x1xi32>
    %or3A_213 = arith.constant 8388608 : i32
    %or3A_214 = vector.broadcast %or3A_213 : i32 to vector<16x1xi32>
    %or3A_215 = arith.ori %select_n3A_206, %or3A_214 : vector<16x1xi32>
    %or3A_216 = arith.constant 4194304 : i32
    %or3A_217 = vector.broadcast %or3A_216 : i32 to vector<16x1xi32>
    %or3A_218 = arith.ori %or3A_215, %or3A_217 : vector<16x1xi32>
    %xor3A_219 = arith.constant -2147483648 : i32
    %xor3A_220 = vector.broadcast %xor3A_219 : i32 to vector<16x1xi32>
    %xor3A_221 = arith.xori %or3A_209, %xor3A_220 : vector<16x1xi32>
    %ge3A_222 = vector.broadcast %xor3A_221 : vector<16x1xi32> to vector<16x8192xi32>
    %ge3A_223 = arith.cmpi sge, %select_n3A, %ge3A_222 : vector<16x8192xi32>
    %convert_element_type3A_224 = arith.extui %ge3A_223 : vector<16x8192xi1> to vector<16x8192xi32>
    %reduce_sum3A_225 = arith.constant dense<0> : vector<16xi32>
    %reduce_sum3A_226 = vector.multi_reduction <add>, %convert_element_type3A_224, %reduce_sum3A_225 [1] : vector<16x8192xi32> to vector<16xi32>
    %broadcast_in_dim3A_227 = vector.shape_cast %reduce_sum3A_226 : vector<16xi32> to vector<16x1xi32>
    %xor3A_228 = arith.constant -2147483648 : i32
    %xor3A_229 = vector.broadcast %xor3A_228 : i32 to vector<16x1xi32>
    %xor3A_230 = arith.xori %or3A_212, %xor3A_229 : vector<16x1xi32>
    %ge3A_231 = vector.broadcast %xor3A_230 : vector<16x1xi32> to vector<16x8192xi32>
    %ge3A_232 = arith.cmpi sge, %select_n3A, %ge3A_231 : vector<16x8192xi32>
    %convert_element_type3A_233 = arith.extui %ge3A_232 : vector<16x8192xi1> to vector<16x8192xi32>
    %reduce_sum3A_234 = arith.constant dense<0> : vector<16xi32>
    %reduce_sum3A_235 = vector.multi_reduction <add>, %convert_element_type3A_233, %reduce_sum3A_234 [1] : vector<16x8192xi32> to vector<16xi32>
    %broadcast_in_dim3A_236 = vector.shape_cast %reduce_sum3A_235 : vector<16xi32> to vector<16x1xi32>
    %xor3A_237 = arith.constant -2147483648 : i32
    %xor3A_238 = vector.broadcast %xor3A_237 : i32 to vector<16x1xi32>
    %xor3A_239 = arith.xori %or3A_218, %xor3A_238 : vector<16x1xi32>
    %ge3A_240 = vector.broadcast %xor3A_239 : vector<16x1xi32> to vector<16x8192xi32>
    %ge3A_241 = arith.cmpi sge, %select_n3A, %ge3A_240 : vector<16x8192xi32>
    %convert_element_type3A_242 = arith.extui %ge3A_241 : vector<16x8192xi1> to vector<16x8192xi32>
    %reduce_sum3A_243 = arith.constant dense<0> : vector<16xi32>
    %reduce_sum3A_244 = vector.multi_reduction <add>, %convert_element_type3A_242, %reduce_sum3A_243 [1] : vector<16x8192xi32> to vector<16xi32>
    %broadcast_in_dim3A_245 = vector.shape_cast %reduce_sum3A_244 : vector<16xi32> to vector<16x1xi32>
    %ge3A_246 = arith.constant 300 : i32
    %ge3A_247 = vector.broadcast %ge3A_246 : i32 to vector<16x1xi32>
    %ge3A_248 = arith.cmpi sge, %broadcast_in_dim3A_227, %ge3A_247 : vector<16x1xi32>
    %ge3A_249 = arith.constant 300 : i32
    %ge3A_250 = vector.broadcast %ge3A_249 : i32 to vector<16x1xi32>
    %ge3A_251 = arith.cmpi sge, %broadcast_in_dim3A_245, %ge3A_250 : vector<16x1xi32>
    %select_n3A_252 = arith.select %ge3A_251, %or3A_218, %or3A_209 : vector<16x1xi1>, vector<16x1xi32>
    %ge3A_253 = arith.constant 300 : i32
    %ge3A_254 = vector.broadcast %ge3A_253 : i32 to vector<16x1xi32>
    %ge3A_255 = arith.cmpi sge, %broadcast_in_dim3A_236, %ge3A_254 : vector<16x1xi32>
    %select_n3A_256 = arith.select %ge3A_255, %or3A_212, %select_n3A_206 : vector<16x1xi1>, vector<16x1xi32>
    %select_n3A_257 = arith.select %ge3A_248, %select_n3A_252, %select_n3A_256 : vector<16x1xi1>, vector<16x1xi32>
    %or3A_258 = arith.constant 2097152 : i32
    %or3A_259 = vector.broadcast %or3A_258 : i32 to vector<16x1xi32>
    %or3A_260 = arith.ori %select_n3A_257, %or3A_259 : vector<16x1xi32>
    %or3A_261 = arith.constant 1048576 : i32
    %or3A_262 = vector.broadcast %or3A_261 : i32 to vector<16x1xi32>
    %or3A_263 = arith.ori %select_n3A_257, %or3A_262 : vector<16x1xi32>
    %or3A_264 = arith.constant 2097152 : i32
    %or3A_265 = vector.broadcast %or3A_264 : i32 to vector<16x1xi32>
    %or3A_266 = arith.ori %select_n3A_257, %or3A_265 : vector<16x1xi32>
    %or3A_267 = arith.constant 1048576 : i32
    %or3A_268 = vector.broadcast %or3A_267 : i32 to vector<16x1xi32>
    %or3A_269 = arith.ori %or3A_266, %or3A_268 : vector<16x1xi32>
    %xor3A_270 = arith.constant -2147483648 : i32
    %xor3A_271 = vector.broadcast %xor3A_270 : i32 to vector<16x1xi32>
    %xor3A_272 = arith.xori %or3A_260, %xor3A_271 : vector<16x1xi32>
    %ge3A_273 = vector.broadcast %xor3A_272 : vector<16x1xi32> to vector<16x8192xi32>
    %ge3A_274 = arith.cmpi sge, %select_n3A, %ge3A_273 : vector<16x8192xi32>
    %convert_element_type3A_275 = arith.extui %ge3A_274 : vector<16x8192xi1> to vector<16x8192xi32>
    %reduce_sum3A_276 = arith.constant dense<0> : vector<16xi32>
    %reduce_sum3A_277 = vector.multi_reduction <add>, %convert_element_type3A_275, %reduce_sum3A_276 [1] : vector<16x8192xi32> to vector<16xi32>
    %broadcast_in_dim3A_278 = vector.shape_cast %reduce_sum3A_277 : vector<16xi32> to vector<16x1xi32>
    %xor3A_279 = arith.constant -2147483648 : i32
    %xor3A_280 = vector.broadcast %xor3A_279 : i32 to vector<16x1xi32>
    %xor3A_281 = arith.xori %or3A_263, %xor3A_280 : vector<16x1xi32>
    %ge3A_282 = vector.broadcast %xor3A_281 : vector<16x1xi32> to vector<16x8192xi32>
    %ge3A_283 = arith.cmpi sge, %select_n3A, %ge3A_282 : vector<16x8192xi32>
    %convert_element_type3A_284 = arith.extui %ge3A_283 : vector<16x8192xi1> to vector<16x8192xi32>
    %reduce_sum3A_285 = arith.constant dense<0> : vector<16xi32>
    %reduce_sum3A_286 = vector.multi_reduction <add>, %convert_element_type3A_284, %reduce_sum3A_285 [1] : vector<16x8192xi32> to vector<16xi32>
    %broadcast_in_dim3A_287 = vector.shape_cast %reduce_sum3A_286 : vector<16xi32> to vector<16x1xi32>
    %xor3A_288 = arith.constant -2147483648 : i32
    %xor3A_289 = vector.broadcast %xor3A_288 : i32 to vector<16x1xi32>
    %xor3A_290 = arith.xori %or3A_269, %xor3A_289 : vector<16x1xi32>
    %ge3A_291 = vector.broadcast %xor3A_290 : vector<16x1xi32> to vector<16x8192xi32>
    %ge3A_292 = arith.cmpi sge, %select_n3A, %ge3A_291 : vector<16x8192xi32>
    %convert_element_type3A_293 = arith.extui %ge3A_292 : vector<16x8192xi1> to vector<16x8192xi32>
    %reduce_sum3A_294 = arith.constant dense<0> : vector<16xi32>
    %reduce_sum3A_295 = vector.multi_reduction <add>, %convert_element_type3A_293, %reduce_sum3A_294 [1] : vector<16x8192xi32> to vector<16xi32>
    %broadcast_in_dim3A_296 = vector.shape_cast %reduce_sum3A_295 : vector<16xi32> to vector<16x1xi32>
    %ge3A_297 = arith.constant 300 : i32
    %ge3A_298 = vector.broadcast %ge3A_297 : i32 to vector<16x1xi32>
    %ge3A_299 = arith.cmpi sge, %broadcast_in_dim3A_278, %ge3A_298 : vector<16x1xi32>
    %ge3A_300 = arith.constant 300 : i32
    %ge3A_301 = vector.broadcast %ge3A_300 : i32 to vector<16x1xi32>
    %ge3A_302 = arith.cmpi sge, %broadcast_in_dim3A_296, %ge3A_301 : vector<16x1xi32>
    %select_n3A_303 = arith.select %ge3A_302, %or3A_269, %or3A_260 : vector<16x1xi1>, vector<16x1xi32>
    %ge3A_304 = arith.constant 300 : i32
    %ge3A_305 = vector.broadcast %ge3A_304 : i32 to vector<16x1xi32>
    %ge3A_306 = arith.cmpi sge, %broadcast_in_dim3A_287, %ge3A_305 : vector<16x1xi32>
    %select_n3A_307 = arith.select %ge3A_306, %or3A_263, %select_n3A_257 : vector<16x1xi1>, vector<16x1xi32>
    %select_n3A_308 = arith.select %ge3A_299, %select_n3A_303, %select_n3A_307 : vector<16x1xi1>, vector<16x1xi32>
    %or3A_309 = arith.constant 524288 : i32
    %or3A_310 = vector.broadcast %or3A_309 : i32 to vector<16x1xi32>
    %or3A_311 = arith.ori %select_n3A_308, %or3A_310 : vector<16x1xi32>
    %or3A_312 = arith.constant 262144 : i32
    %or3A_313 = vector.broadcast %or3A_312 : i32 to vector<16x1xi32>
    %or3A_314 = arith.ori %select_n3A_308, %or3A_313 : vector<16x1xi32>
    %or3A_315 = arith.constant 524288 : i32
    %or3A_316 = vector.broadcast %or3A_315 : i32 to vector<16x1xi32>
    %or3A_317 = arith.ori %select_n3A_308, %or3A_316 : vector<16x1xi32>
    %or3A_318 = arith.constant 262144 : i32
    %or3A_319 = vector.broadcast %or3A_318 : i32 to vector<16x1xi32>
    %or3A_320 = arith.ori %or3A_317, %or3A_319 : vector<16x1xi32>
    %xor3A_321 = arith.constant -2147483648 : i32
    %xor3A_322 = vector.broadcast %xor3A_321 : i32 to vector<16x1xi32>
    %xor3A_323 = arith.xori %or3A_311, %xor3A_322 : vector<16x1xi32>
    %ge3A_324 = vector.broadcast %xor3A_323 : vector<16x1xi32> to vector<16x8192xi32>
    %ge3A_325 = arith.cmpi sge, %select_n3A, %ge3A_324 : vector<16x8192xi32>
    %convert_element_type3A_326 = arith.extui %ge3A_325 : vector<16x8192xi1> to vector<16x8192xi32>
    %reduce_sum3A_327 = arith.constant dense<0> : vector<16xi32>
    %reduce_sum3A_328 = vector.multi_reduction <add>, %convert_element_type3A_326, %reduce_sum3A_327 [1] : vector<16x8192xi32> to vector<16xi32>
    %broadcast_in_dim3A_329 = vector.shape_cast %reduce_sum3A_328 : vector<16xi32> to vector<16x1xi32>
    %xor3A_330 = arith.constant -2147483648 : i32
    %xor3A_331 = vector.broadcast %xor3A_330 : i32 to vector<16x1xi32>
    %xor3A_332 = arith.xori %or3A_314, %xor3A_331 : vector<16x1xi32>
    %ge3A_333 = vector.broadcast %xor3A_332 : vector<16x1xi32> to vector<16x8192xi32>
    %ge3A_334 = arith.cmpi sge, %select_n3A, %ge3A_333 : vector<16x8192xi32>
    %convert_element_type3A_335 = arith.extui %ge3A_334 : vector<16x8192xi1> to vector<16x8192xi32>
    %reduce_sum3A_336 = arith.constant dense<0> : vector<16xi32>
    %reduce_sum3A_337 = vector.multi_reduction <add>, %convert_element_type3A_335, %reduce_sum3A_336 [1] : vector<16x8192xi32> to vector<16xi32>
    %broadcast_in_dim3A_338 = vector.shape_cast %reduce_sum3A_337 : vector<16xi32> to vector<16x1xi32>
    %xor3A_339 = arith.constant -2147483648 : i32
    %xor3A_340 = vector.broadcast %xor3A_339 : i32 to vector<16x1xi32>
    %xor3A_341 = arith.xori %or3A_320, %xor3A_340 : vector<16x1xi32>
    %ge3A_342 = vector.broadcast %xor3A_341 : vector<16x1xi32> to vector<16x8192xi32>
    %ge3A_343 = arith.cmpi sge, %select_n3A, %ge3A_342 : vector<16x8192xi32>
    %convert_element_type3A_344 = arith.extui %ge3A_343 : vector<16x8192xi1> to vector<16x8192xi32>
    %reduce_sum3A_345 = arith.constant dense<0> : vector<16xi32>
    %reduce_sum3A_346 = vector.multi_reduction <add>, %convert_element_type3A_344, %reduce_sum3A_345 [1] : vector<16x8192xi32> to vector<16xi32>
    %broadcast_in_dim3A_347 = vector.shape_cast %reduce_sum3A_346 : vector<16xi32> to vector<16x1xi32>
    %ge3A_348 = arith.constant 300 : i32
    %ge3A_349 = vector.broadcast %ge3A_348 : i32 to vector<16x1xi32>
    %ge3A_350 = arith.cmpi sge, %broadcast_in_dim3A_329, %ge3A_349 : vector<16x1xi32>
    %ge3A_351 = arith.constant 300 : i32
    %ge3A_352 = vector.broadcast %ge3A_351 : i32 to vector<16x1xi32>
    %ge3A_353 = arith.cmpi sge, %broadcast_in_dim3A_347, %ge3A_352 : vector<16x1xi32>
    %select_n3A_354 = arith.select %ge3A_353, %or3A_320, %or3A_311 : vector<16x1xi1>, vector<16x1xi32>
    %ge3A_355 = arith.constant 300 : i32
    %ge3A_356 = vector.broadcast %ge3A_355 : i32 to vector<16x1xi32>
    %ge3A_357 = arith.cmpi sge, %broadcast_in_dim3A_338, %ge3A_356 : vector<16x1xi32>
    %select_n3A_358 = arith.select %ge3A_357, %or3A_314, %select_n3A_308 : vector<16x1xi1>, vector<16x1xi32>
    %select_n3A_359 = arith.select %ge3A_350, %select_n3A_354, %select_n3A_358 : vector<16x1xi1>, vector<16x1xi32>
    %or3A_360 = arith.constant 131072 : i32
    %or3A_361 = vector.broadcast %or3A_360 : i32 to vector<16x1xi32>
    %or3A_362 = arith.ori %select_n3A_359, %or3A_361 : vector<16x1xi32>
    %or3A_363 = arith.constant 65536 : i32
    %or3A_364 = vector.broadcast %or3A_363 : i32 to vector<16x1xi32>
    %or3A_365 = arith.ori %select_n3A_359, %or3A_364 : vector<16x1xi32>
    %or3A_366 = arith.constant 131072 : i32
    %or3A_367 = vector.broadcast %or3A_366 : i32 to vector<16x1xi32>
    %or3A_368 = arith.ori %select_n3A_359, %or3A_367 : vector<16x1xi32>
    %or3A_369 = arith.constant 65536 : i32
    %or3A_370 = vector.broadcast %or3A_369 : i32 to vector<16x1xi32>
    %or3A_371 = arith.ori %or3A_368, %or3A_370 : vector<16x1xi32>
    %xor3A_372 = arith.constant -2147483648 : i32
    %xor3A_373 = vector.broadcast %xor3A_372 : i32 to vector<16x1xi32>
    %xor3A_374 = arith.xori %or3A_362, %xor3A_373 : vector<16x1xi32>
    %ge3A_375 = vector.broadcast %xor3A_374 : vector<16x1xi32> to vector<16x8192xi32>
    %ge3A_376 = arith.cmpi sge, %select_n3A, %ge3A_375 : vector<16x8192xi32>
    %convert_element_type3A_377 = arith.extui %ge3A_376 : vector<16x8192xi1> to vector<16x8192xi32>
    %reduce_sum3A_378 = arith.constant dense<0> : vector<16xi32>
    %reduce_sum3A_379 = vector.multi_reduction <add>, %convert_element_type3A_377, %reduce_sum3A_378 [1] : vector<16x8192xi32> to vector<16xi32>
    %broadcast_in_dim3A_380 = vector.shape_cast %reduce_sum3A_379 : vector<16xi32> to vector<16x1xi32>
    %xor3A_381 = arith.constant -2147483648 : i32
    %xor3A_382 = vector.broadcast %xor3A_381 : i32 to vector<16x1xi32>
    %xor3A_383 = arith.xori %or3A_365, %xor3A_382 : vector<16x1xi32>
    %ge3A_384 = vector.broadcast %xor3A_383 : vector<16x1xi32> to vector<16x8192xi32>
    %ge3A_385 = arith.cmpi sge, %select_n3A, %ge3A_384 : vector<16x8192xi32>
    %convert_element_type3A_386 = arith.extui %ge3A_385 : vector<16x8192xi1> to vector<16x8192xi32>
    %reduce_sum3A_387 = arith.constant dense<0> : vector<16xi32>
    %reduce_sum3A_388 = vector.multi_reduction <add>, %convert_element_type3A_386, %reduce_sum3A_387 [1] : vector<16x8192xi32> to vector<16xi32>
    %broadcast_in_dim3A_389 = vector.shape_cast %reduce_sum3A_388 : vector<16xi32> to vector<16x1xi32>
    %xor3A_390 = arith.constant -2147483648 : i32
    %xor3A_391 = vector.broadcast %xor3A_390 : i32 to vector<16x1xi32>
    %xor3A_392 = arith.xori %or3A_371, %xor3A_391 : vector<16x1xi32>
    %ge3A_393 = vector.broadcast %xor3A_392 : vector<16x1xi32> to vector<16x8192xi32>
    %ge3A_394 = arith.cmpi sge, %select_n3A, %ge3A_393 : vector<16x8192xi32>
    %convert_element_type3A_395 = arith.extui %ge3A_394 : vector<16x8192xi1> to vector<16x8192xi32>
    %reduce_sum3A_396 = arith.constant dense<0> : vector<16xi32>
    %reduce_sum3A_397 = vector.multi_reduction <add>, %convert_element_type3A_395, %reduce_sum3A_396 [1] : vector<16x8192xi32> to vector<16xi32>
    %broadcast_in_dim3A_398 = vector.shape_cast %reduce_sum3A_397 : vector<16xi32> to vector<16x1xi32>
    %ge3A_399 = arith.constant 300 : i32
    %ge3A_400 = vector.broadcast %ge3A_399 : i32 to vector<16x1xi32>
    %ge3A_401 = arith.cmpi sge, %broadcast_in_dim3A_380, %ge3A_400 : vector<16x1xi32>
    %ge3A_402 = arith.constant 300 : i32
    %ge3A_403 = vector.broadcast %ge3A_402 : i32 to vector<16x1xi32>
    %ge3A_404 = arith.cmpi sge, %broadcast_in_dim3A_398, %ge3A_403 : vector<16x1xi32>
    %select_n3A_405 = arith.select %ge3A_404, %or3A_371, %or3A_362 : vector<16x1xi1>, vector<16x1xi32>
    %ge3A_406 = arith.constant 300 : i32
    %ge3A_407 = vector.broadcast %ge3A_406 : i32 to vector<16x1xi32>
    %ge3A_408 = arith.cmpi sge, %broadcast_in_dim3A_389, %ge3A_407 : vector<16x1xi32>
    %select_n3A_409 = arith.select %ge3A_408, %or3A_365, %select_n3A_359 : vector<16x1xi1>, vector<16x1xi32>
    %select_n3A_410 = arith.select %ge3A_401, %select_n3A_405, %select_n3A_409 : vector<16x1xi1>, vector<16x1xi32>
    %or3A_411 = arith.constant 32768 : i32
    %or3A_412 = vector.broadcast %or3A_411 : i32 to vector<16x1xi32>
    %or3A_413 = arith.ori %select_n3A_410, %or3A_412 : vector<16x1xi32>
    %or3A_414 = arith.constant 16384 : i32
    %or3A_415 = vector.broadcast %or3A_414 : i32 to vector<16x1xi32>
    %or3A_416 = arith.ori %select_n3A_410, %or3A_415 : vector<16x1xi32>
    %or3A_417 = arith.constant 32768 : i32
    %or3A_418 = vector.broadcast %or3A_417 : i32 to vector<16x1xi32>
    %or3A_419 = arith.ori %select_n3A_410, %or3A_418 : vector<16x1xi32>
    %or3A_420 = arith.constant 16384 : i32
    %or3A_421 = vector.broadcast %or3A_420 : i32 to vector<16x1xi32>
    %or3A_422 = arith.ori %or3A_419, %or3A_421 : vector<16x1xi32>
    %xor3A_423 = arith.constant -2147483648 : i32
    %xor3A_424 = vector.broadcast %xor3A_423 : i32 to vector<16x1xi32>
    %xor3A_425 = arith.xori %or3A_413, %xor3A_424 : vector<16x1xi32>
    %ge3A_426 = vector.broadcast %xor3A_425 : vector<16x1xi32> to vector<16x8192xi32>
    %ge3A_427 = arith.cmpi sge, %select_n3A, %ge3A_426 : vector<16x8192xi32>
    %convert_element_type3A_428 = arith.extui %ge3A_427 : vector<16x8192xi1> to vector<16x8192xi32>
    %reduce_sum3A_429 = arith.constant dense<0> : vector<16xi32>
    %reduce_sum3A_430 = vector.multi_reduction <add>, %convert_element_type3A_428, %reduce_sum3A_429 [1] : vector<16x8192xi32> to vector<16xi32>
    %broadcast_in_dim3A_431 = vector.shape_cast %reduce_sum3A_430 : vector<16xi32> to vector<16x1xi32>
    %xor3A_432 = arith.constant -2147483648 : i32
    %xor3A_433 = vector.broadcast %xor3A_432 : i32 to vector<16x1xi32>
    %xor3A_434 = arith.xori %or3A_416, %xor3A_433 : vector<16x1xi32>
    %ge3A_435 = vector.broadcast %xor3A_434 : vector<16x1xi32> to vector<16x8192xi32>
    %ge3A_436 = arith.cmpi sge, %select_n3A, %ge3A_435 : vector<16x8192xi32>
    %convert_element_type3A_437 = arith.extui %ge3A_436 : vector<16x8192xi1> to vector<16x8192xi32>
    %reduce_sum3A_438 = arith.constant dense<0> : vector<16xi32>
    %reduce_sum3A_439 = vector.multi_reduction <add>, %convert_element_type3A_437, %reduce_sum3A_438 [1] : vector<16x8192xi32> to vector<16xi32>
    %broadcast_in_dim3A_440 = vector.shape_cast %reduce_sum3A_439 : vector<16xi32> to vector<16x1xi32>
    %xor3A_441 = arith.constant -2147483648 : i32
    %xor3A_442 = vector.broadcast %xor3A_441 : i32 to vector<16x1xi32>
    %xor3A_443 = arith.xori %or3A_422, %xor3A_442 : vector<16x1xi32>
    %ge3A_444 = vector.broadcast %xor3A_443 : vector<16x1xi32> to vector<16x8192xi32>
    %ge3A_445 = arith.cmpi sge, %select_n3A, %ge3A_444 : vector<16x8192xi32>
    %convert_element_type3A_446 = arith.extui %ge3A_445 : vector<16x8192xi1> to vector<16x8192xi32>
    %reduce_sum3A_447 = arith.constant dense<0> : vector<16xi32>
    %reduce_sum3A_448 = vector.multi_reduction <add>, %convert_element_type3A_446, %reduce_sum3A_447 [1] : vector<16x8192xi32> to vector<16xi32>
    %broadcast_in_dim3A_449 = vector.shape_cast %reduce_sum3A_448 : vector<16xi32> to vector<16x1xi32>
    %ge3A_450 = arith.constant 300 : i32
    %ge3A_451 = vector.broadcast %ge3A_450 : i32 to vector<16x1xi32>
    %ge3A_452 = arith.cmpi sge, %broadcast_in_dim3A_431, %ge3A_451 : vector<16x1xi32>
    %ge3A_453 = arith.constant 300 : i32
    %ge3A_454 = vector.broadcast %ge3A_453 : i32 to vector<16x1xi32>
    %ge3A_455 = arith.cmpi sge, %broadcast_in_dim3A_449, %ge3A_454 : vector<16x1xi32>
    %select_n3A_456 = arith.select %ge3A_455, %or3A_422, %or3A_413 : vector<16x1xi1>, vector<16x1xi32>
    %ge3A_457 = arith.constant 300 : i32
    %ge3A_458 = vector.broadcast %ge3A_457 : i32 to vector<16x1xi32>
    %ge3A_459 = arith.cmpi sge, %broadcast_in_dim3A_440, %ge3A_458 : vector<16x1xi32>
    %select_n3A_460 = arith.select %ge3A_459, %or3A_416, %select_n3A_410 : vector<16x1xi1>, vector<16x1xi32>
    %select_n3A_461 = arith.select %ge3A_452, %select_n3A_456, %select_n3A_460 : vector<16x1xi1>, vector<16x1xi32>
    %or3A_462 = arith.constant 8192 : i32
    %or3A_463 = vector.broadcast %or3A_462 : i32 to vector<16x1xi32>
    %or3A_464 = arith.ori %select_n3A_461, %or3A_463 : vector<16x1xi32>
    %or3A_465 = arith.constant 4096 : i32
    %or3A_466 = vector.broadcast %or3A_465 : i32 to vector<16x1xi32>
    %or3A_467 = arith.ori %select_n3A_461, %or3A_466 : vector<16x1xi32>
    %or3A_468 = arith.constant 8192 : i32
    %or3A_469 = vector.broadcast %or3A_468 : i32 to vector<16x1xi32>
    %or3A_470 = arith.ori %select_n3A_461, %or3A_469 : vector<16x1xi32>
    %or3A_471 = arith.constant 4096 : i32
    %or3A_472 = vector.broadcast %or3A_471 : i32 to vector<16x1xi32>
    %or3A_473 = arith.ori %or3A_470, %or3A_472 : vector<16x1xi32>
    %xor3A_474 = arith.constant -2147483648 : i32
    %xor3A_475 = vector.broadcast %xor3A_474 : i32 to vector<16x1xi32>
    %xor3A_476 = arith.xori %or3A_464, %xor3A_475 : vector<16x1xi32>
    %ge3A_477 = vector.broadcast %xor3A_476 : vector<16x1xi32> to vector<16x8192xi32>
    %ge3A_478 = arith.cmpi sge, %select_n3A, %ge3A_477 : vector<16x8192xi32>
    %convert_element_type3A_479 = arith.extui %ge3A_478 : vector<16x8192xi1> to vector<16x8192xi32>
    %reduce_sum3A_480 = arith.constant dense<0> : vector<16xi32>
    %reduce_sum3A_481 = vector.multi_reduction <add>, %convert_element_type3A_479, %reduce_sum3A_480 [1] : vector<16x8192xi32> to vector<16xi32>
    %broadcast_in_dim3A_482 = vector.shape_cast %reduce_sum3A_481 : vector<16xi32> to vector<16x1xi32>
    %xor3A_483 = arith.constant -2147483648 : i32
    %xor3A_484 = vector.broadcast %xor3A_483 : i32 to vector<16x1xi32>
    %xor3A_485 = arith.xori %or3A_467, %xor3A_484 : vector<16x1xi32>
    %ge3A_486 = vector.broadcast %xor3A_485 : vector<16x1xi32> to vector<16x8192xi32>
    %ge3A_487 = arith.cmpi sge, %select_n3A, %ge3A_486 : vector<16x8192xi32>
    %convert_element_type3A_488 = arith.extui %ge3A_487 : vector<16x8192xi1> to vector<16x8192xi32>
    %reduce_sum3A_489 = arith.constant dense<0> : vector<16xi32>
    %reduce_sum3A_490 = vector.multi_reduction <add>, %convert_element_type3A_488, %reduce_sum3A_489 [1] : vector<16x8192xi32> to vector<16xi32>
    %broadcast_in_dim3A_491 = vector.shape_cast %reduce_sum3A_490 : vector<16xi32> to vector<16x1xi32>
    %xor3A_492 = arith.constant -2147483648 : i32
    %xor3A_493 = vector.broadcast %xor3A_492 : i32 to vector<16x1xi32>
    %xor3A_494 = arith.xori %or3A_473, %xor3A_493 : vector<16x1xi32>
    %ge3A_495 = vector.broadcast %xor3A_494 : vector<16x1xi32> to vector<16x8192xi32>
    %ge3A_496 = arith.cmpi sge, %select_n3A, %ge3A_495 : vector<16x8192xi32>
    %convert_element_type3A_497 = arith.extui %ge3A_496 : vector<16x8192xi1> to vector<16x8192xi32>
    %reduce_sum3A_498 = arith.constant dense<0> : vector<16xi32>
    %reduce_sum3A_499 = vector.multi_reduction <add>, %convert_element_type3A_497, %reduce_sum3A_498 [1] : vector<16x8192xi32> to vector<16xi32>
    %broadcast_in_dim3A_500 = vector.shape_cast %reduce_sum3A_499 : vector<16xi32> to vector<16x1xi32>
    %ge3A_501 = arith.constant 300 : i32
    %ge3A_502 = vector.broadcast %ge3A_501 : i32 to vector<16x1xi32>
    %ge3A_503 = arith.cmpi sge, %broadcast_in_dim3A_482, %ge3A_502 : vector<16x1xi32>
    %ge3A_504 = arith.constant 300 : i32
    %ge3A_505 = vector.broadcast %ge3A_504 : i32 to vector<16x1xi32>
    %ge3A_506 = arith.cmpi sge, %broadcast_in_dim3A_500, %ge3A_505 : vector<16x1xi32>
    %select_n3A_507 = arith.select %ge3A_506, %or3A_473, %or3A_464 : vector<16x1xi1>, vector<16x1xi32>
    %ge3A_508 = arith.constant 300 : i32
    %ge3A_509 = vector.broadcast %ge3A_508 : i32 to vector<16x1xi32>
    %ge3A_510 = arith.cmpi sge, %broadcast_in_dim3A_491, %ge3A_509 : vector<16x1xi32>
    %select_n3A_511 = arith.select %ge3A_510, %or3A_467, %select_n3A_461 : vector<16x1xi1>, vector<16x1xi32>
    %select_n3A_512 = arith.select %ge3A_503, %select_n3A_507, %select_n3A_511 : vector<16x1xi1>, vector<16x1xi32>
    %or3A_513 = arith.constant 2048 : i32
    %or3A_514 = vector.broadcast %or3A_513 : i32 to vector<16x1xi32>
    %or3A_515 = arith.ori %select_n3A_512, %or3A_514 : vector<16x1xi32>
    %or3A_516 = arith.constant 1024 : i32
    %or3A_517 = vector.broadcast %or3A_516 : i32 to vector<16x1xi32>
    %or3A_518 = arith.ori %select_n3A_512, %or3A_517 : vector<16x1xi32>
    %or3A_519 = arith.constant 2048 : i32
    %or3A_520 = vector.broadcast %or3A_519 : i32 to vector<16x1xi32>
    %or3A_521 = arith.ori %select_n3A_512, %or3A_520 : vector<16x1xi32>
    %or3A_522 = arith.constant 1024 : i32
    %or3A_523 = vector.broadcast %or3A_522 : i32 to vector<16x1xi32>
    %or3A_524 = arith.ori %or3A_521, %or3A_523 : vector<16x1xi32>
    %xor3A_525 = arith.constant -2147483648 : i32
    %xor3A_526 = vector.broadcast %xor3A_525 : i32 to vector<16x1xi32>
    %xor3A_527 = arith.xori %or3A_515, %xor3A_526 : vector<16x1xi32>
    %ge3A_528 = vector.broadcast %xor3A_527 : vector<16x1xi32> to vector<16x8192xi32>
    %ge3A_529 = arith.cmpi sge, %select_n3A, %ge3A_528 : vector<16x8192xi32>
    %convert_element_type3A_530 = arith.extui %ge3A_529 : vector<16x8192xi1> to vector<16x8192xi32>
    %reduce_sum3A_531 = arith.constant dense<0> : vector<16xi32>
    %reduce_sum3A_532 = vector.multi_reduction <add>, %convert_element_type3A_530, %reduce_sum3A_531 [1] : vector<16x8192xi32> to vector<16xi32>
    %broadcast_in_dim3A_533 = vector.shape_cast %reduce_sum3A_532 : vector<16xi32> to vector<16x1xi32>
    %xor3A_534 = arith.constant -2147483648 : i32
    %xor3A_535 = vector.broadcast %xor3A_534 : i32 to vector<16x1xi32>
    %xor3A_536 = arith.xori %or3A_518, %xor3A_535 : vector<16x1xi32>
    %ge3A_537 = vector.broadcast %xor3A_536 : vector<16x1xi32> to vector<16x8192xi32>
    %ge3A_538 = arith.cmpi sge, %select_n3A, %ge3A_537 : vector<16x8192xi32>
    %convert_element_type3A_539 = arith.extui %ge3A_538 : vector<16x8192xi1> to vector<16x8192xi32>
    %reduce_sum3A_540 = arith.constant dense<0> : vector<16xi32>
    %reduce_sum3A_541 = vector.multi_reduction <add>, %convert_element_type3A_539, %reduce_sum3A_540 [1] : vector<16x8192xi32> to vector<16xi32>
    %broadcast_in_dim3A_542 = vector.shape_cast %reduce_sum3A_541 : vector<16xi32> to vector<16x1xi32>
    %xor3A_543 = arith.constant -2147483648 : i32
    %xor3A_544 = vector.broadcast %xor3A_543 : i32 to vector<16x1xi32>
    %xor3A_545 = arith.xori %or3A_524, %xor3A_544 : vector<16x1xi32>
    %ge3A_546 = vector.broadcast %xor3A_545 : vector<16x1xi32> to vector<16x8192xi32>
    %ge3A_547 = arith.cmpi sge, %select_n3A, %ge3A_546 : vector<16x8192xi32>
    %convert_element_type3A_548 = arith.extui %ge3A_547 : vector<16x8192xi1> to vector<16x8192xi32>
    %reduce_sum3A_549 = arith.constant dense<0> : vector<16xi32>
    %reduce_sum3A_550 = vector.multi_reduction <add>, %convert_element_type3A_548, %reduce_sum3A_549 [1] : vector<16x8192xi32> to vector<16xi32>
    %broadcast_in_dim3A_551 = vector.shape_cast %reduce_sum3A_550 : vector<16xi32> to vector<16x1xi32>
    %ge3A_552 = arith.constant 300 : i32
    %ge3A_553 = vector.broadcast %ge3A_552 : i32 to vector<16x1xi32>
    %ge3A_554 = arith.cmpi sge, %broadcast_in_dim3A_533, %ge3A_553 : vector<16x1xi32>
    %ge3A_555 = arith.constant 300 : i32
    %ge3A_556 = vector.broadcast %ge3A_555 : i32 to vector<16x1xi32>
    %ge3A_557 = arith.cmpi sge, %broadcast_in_dim3A_551, %ge3A_556 : vector<16x1xi32>
    %select_n3A_558 = arith.select %ge3A_557, %or3A_524, %or3A_515 : vector<16x1xi1>, vector<16x1xi32>
    %ge3A_559 = arith.constant 300 : i32
    %ge3A_560 = vector.broadcast %ge3A_559 : i32 to vector<16x1xi32>
    %ge3A_561 = arith.cmpi sge, %broadcast_in_dim3A_542, %ge3A_560 : vector<16x1xi32>
    %select_n3A_562 = arith.select %ge3A_561, %or3A_518, %select_n3A_512 : vector<16x1xi1>, vector<16x1xi32>
    %select_n3A_563 = arith.select %ge3A_554, %select_n3A_558, %select_n3A_562 : vector<16x1xi1>, vector<16x1xi32>
    %or3A_564 = arith.constant 512 : i32
    %or3A_565 = vector.broadcast %or3A_564 : i32 to vector<16x1xi32>
    %or3A_566 = arith.ori %select_n3A_563, %or3A_565 : vector<16x1xi32>
    %or3A_567 = arith.constant 256 : i32
    %or3A_568 = vector.broadcast %or3A_567 : i32 to vector<16x1xi32>
    %or3A_569 = arith.ori %select_n3A_563, %or3A_568 : vector<16x1xi32>
    %or3A_570 = arith.constant 512 : i32
    %or3A_571 = vector.broadcast %or3A_570 : i32 to vector<16x1xi32>
    %or3A_572 = arith.ori %select_n3A_563, %or3A_571 : vector<16x1xi32>
    %or3A_573 = arith.constant 256 : i32
    %or3A_574 = vector.broadcast %or3A_573 : i32 to vector<16x1xi32>
    %or3A_575 = arith.ori %or3A_572, %or3A_574 : vector<16x1xi32>
    %xor3A_576 = arith.constant -2147483648 : i32
    %xor3A_577 = vector.broadcast %xor3A_576 : i32 to vector<16x1xi32>
    %xor3A_578 = arith.xori %or3A_566, %xor3A_577 : vector<16x1xi32>
    %ge3A_579 = vector.broadcast %xor3A_578 : vector<16x1xi32> to vector<16x8192xi32>
    %ge3A_580 = arith.cmpi sge, %select_n3A, %ge3A_579 : vector<16x8192xi32>
    %convert_element_type3A_581 = arith.extui %ge3A_580 : vector<16x8192xi1> to vector<16x8192xi32>
    %reduce_sum3A_582 = arith.constant dense<0> : vector<16xi32>
    %reduce_sum3A_583 = vector.multi_reduction <add>, %convert_element_type3A_581, %reduce_sum3A_582 [1] : vector<16x8192xi32> to vector<16xi32>
    %broadcast_in_dim3A_584 = vector.shape_cast %reduce_sum3A_583 : vector<16xi32> to vector<16x1xi32>
    %xor3A_585 = arith.constant -2147483648 : i32
    %xor3A_586 = vector.broadcast %xor3A_585 : i32 to vector<16x1xi32>
    %xor3A_587 = arith.xori %or3A_569, %xor3A_586 : vector<16x1xi32>
    %ge3A_588 = vector.broadcast %xor3A_587 : vector<16x1xi32> to vector<16x8192xi32>
    %ge3A_589 = arith.cmpi sge, %select_n3A, %ge3A_588 : vector<16x8192xi32>
    %convert_element_type3A_590 = arith.extui %ge3A_589 : vector<16x8192xi1> to vector<16x8192xi32>
    %reduce_sum3A_591 = arith.constant dense<0> : vector<16xi32>
    %reduce_sum3A_592 = vector.multi_reduction <add>, %convert_element_type3A_590, %reduce_sum3A_591 [1] : vector<16x8192xi32> to vector<16xi32>
    %broadcast_in_dim3A_593 = vector.shape_cast %reduce_sum3A_592 : vector<16xi32> to vector<16x1xi32>
    %xor3A_594 = arith.constant -2147483648 : i32
    %xor3A_595 = vector.broadcast %xor3A_594 : i32 to vector<16x1xi32>
    %xor3A_596 = arith.xori %or3A_575, %xor3A_595 : vector<16x1xi32>
    %ge3A_597 = vector.broadcast %xor3A_596 : vector<16x1xi32> to vector<16x8192xi32>
    %ge3A_598 = arith.cmpi sge, %select_n3A, %ge3A_597 : vector<16x8192xi32>
    %convert_element_type3A_599 = arith.extui %ge3A_598 : vector<16x8192xi1> to vector<16x8192xi32>
    %reduce_sum3A_600 = arith.constant dense<0> : vector<16xi32>
    %reduce_sum3A_601 = vector.multi_reduction <add>, %convert_element_type3A_599, %reduce_sum3A_600 [1] : vector<16x8192xi32> to vector<16xi32>
    %broadcast_in_dim3A_602 = vector.shape_cast %reduce_sum3A_601 : vector<16xi32> to vector<16x1xi32>
    %ge3A_603 = arith.constant 300 : i32
    %ge3A_604 = vector.broadcast %ge3A_603 : i32 to vector<16x1xi32>
    %ge3A_605 = arith.cmpi sge, %broadcast_in_dim3A_584, %ge3A_604 : vector<16x1xi32>
    %ge3A_606 = arith.constant 300 : i32
    %ge3A_607 = vector.broadcast %ge3A_606 : i32 to vector<16x1xi32>
    %ge3A_608 = arith.cmpi sge, %broadcast_in_dim3A_602, %ge3A_607 : vector<16x1xi32>
    %select_n3A_609 = arith.select %ge3A_608, %or3A_575, %or3A_566 : vector<16x1xi1>, vector<16x1xi32>
    %ge3A_610 = arith.constant 300 : i32
    %ge3A_611 = vector.broadcast %ge3A_610 : i32 to vector<16x1xi32>
    %ge3A_612 = arith.cmpi sge, %broadcast_in_dim3A_593, %ge3A_611 : vector<16x1xi32>
    %select_n3A_613 = arith.select %ge3A_612, %or3A_569, %select_n3A_563 : vector<16x1xi1>, vector<16x1xi32>
    %select_n3A_614 = arith.select %ge3A_605, %select_n3A_609, %select_n3A_613 : vector<16x1xi1>, vector<16x1xi32>
    %or3A_615 = arith.constant 128 : i32
    %or3A_616 = vector.broadcast %or3A_615 : i32 to vector<16x1xi32>
    %or3A_617 = arith.ori %select_n3A_614, %or3A_616 : vector<16x1xi32>
    %or3A_618 = arith.constant 64 : i32
    %or3A_619 = vector.broadcast %or3A_618 : i32 to vector<16x1xi32>
    %or3A_620 = arith.ori %select_n3A_614, %or3A_619 : vector<16x1xi32>
    %or3A_621 = arith.constant 128 : i32
    %or3A_622 = vector.broadcast %or3A_621 : i32 to vector<16x1xi32>
    %or3A_623 = arith.ori %select_n3A_614, %or3A_622 : vector<16x1xi32>
    %or3A_624 = arith.constant 64 : i32
    %or3A_625 = vector.broadcast %or3A_624 : i32 to vector<16x1xi32>
    %or3A_626 = arith.ori %or3A_623, %or3A_625 : vector<16x1xi32>
    %xor3A_627 = arith.constant -2147483648 : i32
    %xor3A_628 = vector.broadcast %xor3A_627 : i32 to vector<16x1xi32>
    %xor3A_629 = arith.xori %or3A_617, %xor3A_628 : vector<16x1xi32>
    %ge3A_630 = vector.broadcast %xor3A_629 : vector<16x1xi32> to vector<16x8192xi32>
    %ge3A_631 = arith.cmpi sge, %select_n3A, %ge3A_630 : vector<16x8192xi32>
    %convert_element_type3A_632 = arith.extui %ge3A_631 : vector<16x8192xi1> to vector<16x8192xi32>
    %reduce_sum3A_633 = arith.constant dense<0> : vector<16xi32>
    %reduce_sum3A_634 = vector.multi_reduction <add>, %convert_element_type3A_632, %reduce_sum3A_633 [1] : vector<16x8192xi32> to vector<16xi32>
    %broadcast_in_dim3A_635 = vector.shape_cast %reduce_sum3A_634 : vector<16xi32> to vector<16x1xi32>
    %xor3A_636 = arith.constant -2147483648 : i32
    %xor3A_637 = vector.broadcast %xor3A_636 : i32 to vector<16x1xi32>
    %xor3A_638 = arith.xori %or3A_620, %xor3A_637 : vector<16x1xi32>
    %ge3A_639 = vector.broadcast %xor3A_638 : vector<16x1xi32> to vector<16x8192xi32>
    %ge3A_640 = arith.cmpi sge, %select_n3A, %ge3A_639 : vector<16x8192xi32>
    %convert_element_type3A_641 = arith.extui %ge3A_640 : vector<16x8192xi1> to vector<16x8192xi32>
    %reduce_sum3A_642 = arith.constant dense<0> : vector<16xi32>
    %reduce_sum3A_643 = vector.multi_reduction <add>, %convert_element_type3A_641, %reduce_sum3A_642 [1] : vector<16x8192xi32> to vector<16xi32>
    %broadcast_in_dim3A_644 = vector.shape_cast %reduce_sum3A_643 : vector<16xi32> to vector<16x1xi32>
    %xor3A_645 = arith.constant -2147483648 : i32
    %xor3A_646 = vector.broadcast %xor3A_645 : i32 to vector<16x1xi32>
    %xor3A_647 = arith.xori %or3A_626, %xor3A_646 : vector<16x1xi32>
    %ge3A_648 = vector.broadcast %xor3A_647 : vector<16x1xi32> to vector<16x8192xi32>
    %ge3A_649 = arith.cmpi sge, %select_n3A, %ge3A_648 : vector<16x8192xi32>
    %convert_element_type3A_650 = arith.extui %ge3A_649 : vector<16x8192xi1> to vector<16x8192xi32>
    %reduce_sum3A_651 = arith.constant dense<0> : vector<16xi32>
    %reduce_sum3A_652 = vector.multi_reduction <add>, %convert_element_type3A_650, %reduce_sum3A_651 [1] : vector<16x8192xi32> to vector<16xi32>
    %broadcast_in_dim3A_653 = vector.shape_cast %reduce_sum3A_652 : vector<16xi32> to vector<16x1xi32>
    %ge3A_654 = arith.constant 300 : i32
    %ge3A_655 = vector.broadcast %ge3A_654 : i32 to vector<16x1xi32>
    %ge3A_656 = arith.cmpi sge, %broadcast_in_dim3A_635, %ge3A_655 : vector<16x1xi32>
    %ge3A_657 = arith.constant 300 : i32
    %ge3A_658 = vector.broadcast %ge3A_657 : i32 to vector<16x1xi32>
    %ge3A_659 = arith.cmpi sge, %broadcast_in_dim3A_653, %ge3A_658 : vector<16x1xi32>
    %select_n3A_660 = arith.select %ge3A_659, %or3A_626, %or3A_617 : vector<16x1xi1>, vector<16x1xi32>
    %ge3A_661 = arith.constant 300 : i32
    %ge3A_662 = vector.broadcast %ge3A_661 : i32 to vector<16x1xi32>
    %ge3A_663 = arith.cmpi sge, %broadcast_in_dim3A_644, %ge3A_662 : vector<16x1xi32>
    %select_n3A_664 = arith.select %ge3A_663, %or3A_620, %select_n3A_614 : vector<16x1xi1>, vector<16x1xi32>
    %select_n3A_665 = arith.select %ge3A_656, %select_n3A_660, %select_n3A_664 : vector<16x1xi1>, vector<16x1xi32>
    %or3A_666 = arith.constant 32 : i32
    %or3A_667 = vector.broadcast %or3A_666 : i32 to vector<16x1xi32>
    %or3A_668 = arith.ori %select_n3A_665, %or3A_667 : vector<16x1xi32>
    %or3A_669 = arith.constant 16 : i32
    %or3A_670 = vector.broadcast %or3A_669 : i32 to vector<16x1xi32>
    %or3A_671 = arith.ori %select_n3A_665, %or3A_670 : vector<16x1xi32>
    %or3A_672 = arith.constant 32 : i32
    %or3A_673 = vector.broadcast %or3A_672 : i32 to vector<16x1xi32>
    %or3A_674 = arith.ori %select_n3A_665, %or3A_673 : vector<16x1xi32>
    %or3A_675 = arith.constant 16 : i32
    %or3A_676 = vector.broadcast %or3A_675 : i32 to vector<16x1xi32>
    %or3A_677 = arith.ori %or3A_674, %or3A_676 : vector<16x1xi32>
    %xor3A_678 = arith.constant -2147483648 : i32
    %xor3A_679 = vector.broadcast %xor3A_678 : i32 to vector<16x1xi32>
    %xor3A_680 = arith.xori %or3A_668, %xor3A_679 : vector<16x1xi32>
    %ge3A_681 = vector.broadcast %xor3A_680 : vector<16x1xi32> to vector<16x8192xi32>
    %ge3A_682 = arith.cmpi sge, %select_n3A, %ge3A_681 : vector<16x8192xi32>
    %convert_element_type3A_683 = arith.extui %ge3A_682 : vector<16x8192xi1> to vector<16x8192xi32>
    %reduce_sum3A_684 = arith.constant dense<0> : vector<16xi32>
    %reduce_sum3A_685 = vector.multi_reduction <add>, %convert_element_type3A_683, %reduce_sum3A_684 [1] : vector<16x8192xi32> to vector<16xi32>
    %broadcast_in_dim3A_686 = vector.shape_cast %reduce_sum3A_685 : vector<16xi32> to vector<16x1xi32>
    %xor3A_687 = arith.constant -2147483648 : i32
    %xor3A_688 = vector.broadcast %xor3A_687 : i32 to vector<16x1xi32>
    %xor3A_689 = arith.xori %or3A_671, %xor3A_688 : vector<16x1xi32>
    %ge3A_690 = vector.broadcast %xor3A_689 : vector<16x1xi32> to vector<16x8192xi32>
    %ge3A_691 = arith.cmpi sge, %select_n3A, %ge3A_690 : vector<16x8192xi32>
    %convert_element_type3A_692 = arith.extui %ge3A_691 : vector<16x8192xi1> to vector<16x8192xi32>
    %reduce_sum3A_693 = arith.constant dense<0> : vector<16xi32>
    %reduce_sum3A_694 = vector.multi_reduction <add>, %convert_element_type3A_692, %reduce_sum3A_693 [1] : vector<16x8192xi32> to vector<16xi32>
    %broadcast_in_dim3A_695 = vector.shape_cast %reduce_sum3A_694 : vector<16xi32> to vector<16x1xi32>
    %xor3A_696 = arith.constant -2147483648 : i32
    %xor3A_697 = vector.broadcast %xor3A_696 : i32 to vector<16x1xi32>
    %xor3A_698 = arith.xori %or3A_677, %xor3A_697 : vector<16x1xi32>
    %ge3A_699 = vector.broadcast %xor3A_698 : vector<16x1xi32> to vector<16x8192xi32>
    %ge3A_700 = arith.cmpi sge, %select_n3A, %ge3A_699 : vector<16x8192xi32>
    %convert_element_type3A_701 = arith.extui %ge3A_700 : vector<16x8192xi1> to vector<16x8192xi32>
    %reduce_sum3A_702 = arith.constant dense<0> : vector<16xi32>
    %reduce_sum3A_703 = vector.multi_reduction <add>, %convert_element_type3A_701, %reduce_sum3A_702 [1] : vector<16x8192xi32> to vector<16xi32>
    %broadcast_in_dim3A_704 = vector.shape_cast %reduce_sum3A_703 : vector<16xi32> to vector<16x1xi32>
    %ge3A_705 = arith.constant 300 : i32
    %ge3A_706 = vector.broadcast %ge3A_705 : i32 to vector<16x1xi32>
    %ge3A_707 = arith.cmpi sge, %broadcast_in_dim3A_686, %ge3A_706 : vector<16x1xi32>
    %ge3A_708 = arith.constant 300 : i32
    %ge3A_709 = vector.broadcast %ge3A_708 : i32 to vector<16x1xi32>
    %ge3A_710 = arith.cmpi sge, %broadcast_in_dim3A_704, %ge3A_709 : vector<16x1xi32>
    %select_n3A_711 = arith.select %ge3A_710, %or3A_677, %or3A_668 : vector<16x1xi1>, vector<16x1xi32>
    %ge3A_712 = arith.constant 300 : i32
    %ge3A_713 = vector.broadcast %ge3A_712 : i32 to vector<16x1xi32>
    %ge3A_714 = arith.cmpi sge, %broadcast_in_dim3A_695, %ge3A_713 : vector<16x1xi32>
    %select_n3A_715 = arith.select %ge3A_714, %or3A_671, %select_n3A_665 : vector<16x1xi1>, vector<16x1xi32>
    %select_n3A_716 = arith.select %ge3A_707, %select_n3A_711, %select_n3A_715 : vector<16x1xi1>, vector<16x1xi32>
    %or3A_717 = arith.constant 8 : i32
    %or3A_718 = vector.broadcast %or3A_717 : i32 to vector<16x1xi32>
    %or3A_719 = arith.ori %select_n3A_716, %or3A_718 : vector<16x1xi32>
    %or3A_720 = arith.constant 4 : i32
    %or3A_721 = vector.broadcast %or3A_720 : i32 to vector<16x1xi32>
    %or3A_722 = arith.ori %select_n3A_716, %or3A_721 : vector<16x1xi32>
    %or3A_723 = arith.constant 8 : i32
    %or3A_724 = vector.broadcast %or3A_723 : i32 to vector<16x1xi32>
    %or3A_725 = arith.ori %select_n3A_716, %or3A_724 : vector<16x1xi32>
    %or3A_726 = arith.constant 4 : i32
    %or3A_727 = vector.broadcast %or3A_726 : i32 to vector<16x1xi32>
    %or3A_728 = arith.ori %or3A_725, %or3A_727 : vector<16x1xi32>
    %xor3A_729 = arith.constant -2147483648 : i32
    %xor3A_730 = vector.broadcast %xor3A_729 : i32 to vector<16x1xi32>
    %xor3A_731 = arith.xori %or3A_719, %xor3A_730 : vector<16x1xi32>
    %ge3A_732 = vector.broadcast %xor3A_731 : vector<16x1xi32> to vector<16x8192xi32>
    %ge3A_733 = arith.cmpi sge, %select_n3A, %ge3A_732 : vector<16x8192xi32>
    %convert_element_type3A_734 = arith.extui %ge3A_733 : vector<16x8192xi1> to vector<16x8192xi32>
    %reduce_sum3A_735 = arith.constant dense<0> : vector<16xi32>
    %reduce_sum3A_736 = vector.multi_reduction <add>, %convert_element_type3A_734, %reduce_sum3A_735 [1] : vector<16x8192xi32> to vector<16xi32>
    %broadcast_in_dim3A_737 = vector.shape_cast %reduce_sum3A_736 : vector<16xi32> to vector<16x1xi32>
    %xor3A_738 = arith.constant -2147483648 : i32
    %xor3A_739 = vector.broadcast %xor3A_738 : i32 to vector<16x1xi32>
    %xor3A_740 = arith.xori %or3A_722, %xor3A_739 : vector<16x1xi32>
    %ge3A_741 = vector.broadcast %xor3A_740 : vector<16x1xi32> to vector<16x8192xi32>
    %ge3A_742 = arith.cmpi sge, %select_n3A, %ge3A_741 : vector<16x8192xi32>
    %convert_element_type3A_743 = arith.extui %ge3A_742 : vector<16x8192xi1> to vector<16x8192xi32>
    %reduce_sum3A_744 = arith.constant dense<0> : vector<16xi32>
    %reduce_sum3A_745 = vector.multi_reduction <add>, %convert_element_type3A_743, %reduce_sum3A_744 [1] : vector<16x8192xi32> to vector<16xi32>
    %broadcast_in_dim3A_746 = vector.shape_cast %reduce_sum3A_745 : vector<16xi32> to vector<16x1xi32>
    %xor3A_747 = arith.constant -2147483648 : i32
    %xor3A_748 = vector.broadcast %xor3A_747 : i32 to vector<16x1xi32>
    %xor3A_749 = arith.xori %or3A_728, %xor3A_748 : vector<16x1xi32>
    %ge3A_750 = vector.broadcast %xor3A_749 : vector<16x1xi32> to vector<16x8192xi32>
    %ge3A_751 = arith.cmpi sge, %select_n3A, %ge3A_750 : vector<16x8192xi32>
    %convert_element_type3A_752 = arith.extui %ge3A_751 : vector<16x8192xi1> to vector<16x8192xi32>
    %reduce_sum3A_753 = arith.constant dense<0> : vector<16xi32>
    %reduce_sum3A_754 = vector.multi_reduction <add>, %convert_element_type3A_752, %reduce_sum3A_753 [1] : vector<16x8192xi32> to vector<16xi32>
    %broadcast_in_dim3A_755 = vector.shape_cast %reduce_sum3A_754 : vector<16xi32> to vector<16x1xi32>
    %ge3A_756 = arith.constant 300 : i32
    %ge3A_757 = vector.broadcast %ge3A_756 : i32 to vector<16x1xi32>
    %ge3A_758 = arith.cmpi sge, %broadcast_in_dim3A_737, %ge3A_757 : vector<16x1xi32>
    %ge3A_759 = arith.constant 300 : i32
    %ge3A_760 = vector.broadcast %ge3A_759 : i32 to vector<16x1xi32>
    %ge3A_761 = arith.cmpi sge, %broadcast_in_dim3A_755, %ge3A_760 : vector<16x1xi32>
    %select_n3A_762 = arith.select %ge3A_761, %or3A_728, %or3A_719 : vector<16x1xi1>, vector<16x1xi32>
    %ge3A_763 = arith.constant 300 : i32
    %ge3A_764 = vector.broadcast %ge3A_763 : i32 to vector<16x1xi32>
    %ge3A_765 = arith.cmpi sge, %broadcast_in_dim3A_746, %ge3A_764 : vector<16x1xi32>
    %select_n3A_766 = arith.select %ge3A_765, %or3A_722, %select_n3A_716 : vector<16x1xi1>, vector<16x1xi32>
    %select_n3A_767 = arith.select %ge3A_758, %select_n3A_762, %select_n3A_766 : vector<16x1xi1>, vector<16x1xi32>
    %or3A_768 = arith.constant 2 : i32
    %or3A_769 = vector.broadcast %or3A_768 : i32 to vector<16x1xi32>
    %or3A_770 = arith.ori %select_n3A_767, %or3A_769 : vector<16x1xi32>
    %or3A_771 = arith.constant 1 : i32
    %or3A_772 = vector.broadcast %or3A_771 : i32 to vector<16x1xi32>
    %or3A_773 = arith.ori %select_n3A_767, %or3A_772 : vector<16x1xi32>
    %or3A_774 = arith.constant 2 : i32
    %or3A_775 = vector.broadcast %or3A_774 : i32 to vector<16x1xi32>
    %or3A_776 = arith.ori %select_n3A_767, %or3A_775 : vector<16x1xi32>
    %or3A_777 = arith.constant 1 : i32
    %or3A_778 = vector.broadcast %or3A_777 : i32 to vector<16x1xi32>
    %or3A_779 = arith.ori %or3A_776, %or3A_778 : vector<16x1xi32>
    %xor3A_780 = arith.constant -2147483648 : i32
    %xor3A_781 = vector.broadcast %xor3A_780 : i32 to vector<16x1xi32>
    %xor3A_782 = arith.xori %or3A_770, %xor3A_781 : vector<16x1xi32>
    %ge3A_783 = vector.broadcast %xor3A_782 : vector<16x1xi32> to vector<16x8192xi32>
    %ge3A_784 = arith.cmpi sge, %select_n3A, %ge3A_783 : vector<16x8192xi32>
    %convert_element_type3A_785 = arith.extui %ge3A_784 : vector<16x8192xi1> to vector<16x8192xi32>
    %reduce_sum3A_786 = arith.constant dense<0> : vector<16xi32>
    %reduce_sum3A_787 = vector.multi_reduction <add>, %convert_element_type3A_785, %reduce_sum3A_786 [1] : vector<16x8192xi32> to vector<16xi32>
    %broadcast_in_dim3A_788 = vector.shape_cast %reduce_sum3A_787 : vector<16xi32> to vector<16x1xi32>
    %xor3A_789 = arith.constant -2147483648 : i32
    %xor3A_790 = vector.broadcast %xor3A_789 : i32 to vector<16x1xi32>
    %xor3A_791 = arith.xori %or3A_773, %xor3A_790 : vector<16x1xi32>
    %ge3A_792 = vector.broadcast %xor3A_791 : vector<16x1xi32> to vector<16x8192xi32>
    %ge3A_793 = arith.cmpi sge, %select_n3A, %ge3A_792 : vector<16x8192xi32>
    %convert_element_type3A_794 = arith.extui %ge3A_793 : vector<16x8192xi1> to vector<16x8192xi32>
    %reduce_sum3A_795 = arith.constant dense<0> : vector<16xi32>
    %reduce_sum3A_796 = vector.multi_reduction <add>, %convert_element_type3A_794, %reduce_sum3A_795 [1] : vector<16x8192xi32> to vector<16xi32>
    %broadcast_in_dim3A_797 = vector.shape_cast %reduce_sum3A_796 : vector<16xi32> to vector<16x1xi32>
    %xor3A_798 = arith.constant -2147483648 : i32
    %xor3A_799 = vector.broadcast %xor3A_798 : i32 to vector<16x1xi32>
    %xor3A_800 = arith.xori %or3A_779, %xor3A_799 : vector<16x1xi32>
    %ge3A_801 = vector.broadcast %xor3A_800 : vector<16x1xi32> to vector<16x8192xi32>
    %ge3A_802 = arith.cmpi sge, %select_n3A, %ge3A_801 : vector<16x8192xi32>
    %convert_element_type3A_803 = arith.extui %ge3A_802 : vector<16x8192xi1> to vector<16x8192xi32>
    %reduce_sum3A_804 = arith.constant dense<0> : vector<16xi32>
    %reduce_sum3A_805 = vector.multi_reduction <add>, %convert_element_type3A_803, %reduce_sum3A_804 [1] : vector<16x8192xi32> to vector<16xi32>
    %broadcast_in_dim3A_806 = vector.shape_cast %reduce_sum3A_805 : vector<16xi32> to vector<16x1xi32>
    %ge3A_807 = arith.constant 300 : i32
    %ge3A_808 = vector.broadcast %ge3A_807 : i32 to vector<16x1xi32>
    %ge3A_809 = arith.cmpi sge, %broadcast_in_dim3A_788, %ge3A_808 : vector<16x1xi32>
    %ge3A_810 = arith.constant 300 : i32
    %ge3A_811 = vector.broadcast %ge3A_810 : i32 to vector<16x1xi32>
    %ge3A_812 = arith.cmpi sge, %broadcast_in_dim3A_806, %ge3A_811 : vector<16x1xi32>
    %select_n3A_813 = arith.select %ge3A_812, %or3A_779, %or3A_770 : vector<16x1xi1>, vector<16x1xi32>
    %ge3A_814 = arith.constant 300 : i32
    %ge3A_815 = vector.broadcast %ge3A_814 : i32 to vector<16x1xi32>
    %ge3A_816 = arith.cmpi sge, %broadcast_in_dim3A_797, %ge3A_815 : vector<16x1xi32>
    %select_n3A_817 = arith.select %ge3A_816, %or3A_773, %select_n3A_767 : vector<16x1xi1>, vector<16x1xi32>
    %select_n3A_818 = arith.select %ge3A_809, %select_n3A_813, %select_n3A_817 : vector<16x1xi1>, vector<16x1xi32>
    %xor3A_819 = arith.constant -2147483648 : i32
    %xor3A_820 = vector.broadcast %xor3A_819 : i32 to vector<16x1xi32>
    %xor3A_821 = arith.xori %select_n3A_818, %xor3A_820 : vector<16x1xi32>
    %swap3A = arith.constant 0 : index
    %swap3A_822 = arith.constant 0 : index
    %swap3A_823 = vector.load %arg1[%swap3A, %swap3A_822] : memref<16x1xi32, #tpu.memory_space<vmem>>, vector<16x1xi32>
    tpu.vector_store %arg1[%swap3A, %swap3A_822], %xor3A_821 {strides = array<i32>} : memref<16x1xi32, #tpu.memory_space<vmem>>, vector<16x1xi32>,
    return
  }
}

module attributes {stable_mosaic.version = 14 : i64} {
  func.func @_topk_body(%arg0: i32, %arg1: memref<1x1x8192xf32, #tpu.memory_space<vmem>>, %arg2: memref<1x4x8192xf32, #tpu.memory_space<vmem>>, %arg3: memref<1x1x1xi32, #tpu.memory_space<vmem>>, %arg4: memref<1x1x320xi32, #tpu.memory_space<vmem>>, %arg5: memref<1x4x320xf32, #tpu.memory_space<vmem>>, %arg6: memref<1x4x320xf32, #tpu.memory_space<vmem>>) attributes {dimension_semantics = [#tpu.dimension_semantics<arbitrary>], iteration_bounds = array<i64: 16>, scalar_prefetch = 0 : i64, scratch_operands = 0 : i64, tpu.core_type = #tpu.core_type<tc>, window_params = [{transform_indices = @transform_0, window_bounds = array<i64: 1, 1, 8192>}, {transform_indices = @transform_1, window_bounds = array<i64: 1, 4, 8192>}, {transform_indices = @transform_2, window_bounds = array<i64: 1, 1, 1>}, {transform_indices = @transform_3, window_bounds = array<i64: 1, 1, 320>}, {transform_indices = @transform_4, window_bounds = array<i64: 1, 4, 320>}, {transform_indices = @transform_5, window_bounds = array<i64: 1, 4, 320>}]} {
    %get3A = arith.constant 0 : index
    %get3A_0 = arith.constant 0 : index
    %get3A_1 = arith.constant 0 : index
    %get3A_2 = vector.load %arg1[%get3A, %get3A_0, %get3A_1] : memref<1x1x8192xf32, #tpu.memory_space<vmem>>, vector<1x1x8192xf32>
    %get3A_3 = vector.shape_cast %get3A_2 : vector<1x1x8192xf32> to vector<1x8192xf32>
    %bitcast_convert_type3A = tpu.bitcast %get3A_3 : vector<1x8192xf32> -> vector<1x8192xi32>
    %lt3A = arith.constant 0 : i32
    %lt3A_4 = vector.broadcast %lt3A : i32 to vector<1x8192xi32>
    %lt3A_5 = arith.cmpi slt, %bitcast_convert_type3A, %lt3A_4 : vector<1x8192xi32>
    %xor3A = arith.constant 2147483647 : i32
    %xor3A_6 = vector.broadcast %xor3A : i32 to vector<1x8192xi32>
    %xor3A_7 = arith.xori %bitcast_convert_type3A, %xor3A_6 : vector<1x8192xi32>
    %select_n3A = arith.select %lt3A_5, %xor3A_7, %bitcast_convert_type3A : vector<1x8192xi1>, vector<1x8192xi32>
    %reshape3A = vector.shape_cast %select_n3A : vector<1x8192xi32> to vector<64x128xi32>
    %get3A_8 = arith.constant 0 : index
    %get3A_9 = arith.constant 0 : index
    %get3A_10 = arith.constant 0 : index
    %get3A_11 = vector.load %arg3[%get3A_8, %get3A_9, %get3A_10] : memref<1x1x1xi32, #tpu.memory_space<vmem>>, vector<1x1x1xi32>
    %get3A_12 = vector.shape_cast %get3A_11 : vector<1x1x1xi32> to vector<1x1xi32>
    %ge3A = vector.broadcast %get3A_12 : vector<1x1xi32> to vector<64x128xi32>
    %ge3A_13 = arith.cmpi sge, %reshape3A, %ge3A : vector<64x128xi32>
    %convert_element_type3A = arith.extui %ge3A_13 : vector<64x128xi1> to vector<64x128xi32>
    %convert_element_type3A_14 = arith.sitofp %convert_element_type3A : vector<64x128xi32> to vector<64x128xf32>
    %reduce_sum3A = vector.shape_cast %convert_element_type3A_14 : vector<64x128xf32> to vector<1x64x128xf32>
    %reduce_sum3A_15 = arith.constant dense<0.000000e+00> : vector<1xf32>
    %reduce_sum3A_16 = vector.multi_reduction <add>, %reduce_sum3A, %reduce_sum3A_15 [1, 2] : vector<1x64x128xf32> to vector<1xf32>
    %reduce_sum3A_17 = vector.shape_cast %reduce_sum3A_16 : vector<1xf32> to vector<1x1x1xf32>
    %reduce_sum3A_18 = vector.extract %reduce_sum3A_17[0, 0, 0] : f32 from vector<1x1x1xf32>
    %iota3A = tpu.iota {dimensions = array<i32: 0>} : vector<128x128xi32>
    %iota3A_19 = tpu.iota {dimensions = array<i32: 1>} : vector<128x128xi32>
    %lt3A_20 = arith.cmpi slt, %iota3A, %iota3A_19 : vector<128x128xi32>
    %convert_element_type3A_21 = arith.extui %lt3A_20 : vector<128x128xi1> to vector<128x128xi32>
    %convert_element_type3A_22 = arith.sitofp %convert_element_type3A_21 : vector<128x128xi32> to vector<128x128xf32>
    %dot_general3A = arith.constant dense<0.000000e+00> : vector<64x128xf32>
    %dot_general3A_23 = tpu.matmul %convert_element_type3A_14, %convert_element_type3A_22, %dot_general3A {dimension_numbers = #tpu.dot_dimension_numbers<[1], [0], [0], [1], [0, 0, 1, 1], [], []>, transpose_lhs_hint = false} : vector<64x128xf32>, vector<128x128xf32>, vector<64x128xf32> -> vector<64x128xf32>
    %reduce_sum3A_24 = arith.constant dense<0.000000e+00> : vector<64xf32>
    %reduce_sum3A_25 = vector.multi_reduction <add>, %convert_element_type3A_14, %reduce_sum3A_24 [1] : vector<64x128xf32> to vector<64xf32>
    %broadcast_in_dim3A = vector.shape_cast %reduce_sum3A_25 : vector<64xf32> to vector<64x1xf32>
    %iota3A_26 = tpu.iota {dimensions = array<i32: 1>} : vector<64x64xi32>
    %iota3A_27 = tpu.iota {dimensions = array<i32: 0>} : vector<64x64xi32>
    %lt3A_28 = arith.cmpi slt, %iota3A_26, %iota3A_27 : vector<64x64xi32>
    %convert_element_type3A_29 = arith.extui %lt3A_28 : vector<64x64xi1> to vector<64x64xi32>
    %convert_element_type3A_30 = arith.sitofp %convert_element_type3A_29 : vector<64x64xi32> to vector<64x64xf32>
    %dot_general3A_31 = arith.constant dense<0.000000e+00> : vector<64x1xf32>
    %dot_general3A_32 = tpu.matmul %convert_element_type3A_30, %broadcast_in_dim3A, %dot_general3A_31 {dimension_numbers = #tpu.dot_dimension_numbers<[1], [0], [0], [1], [0, 0, 1, 1], [], []>, transpose_lhs_hint = false} : vector<64x64xf32>, vector<64x1xf32>, vector<64x1xf32> -> vector<64x1xf32>
    %add3A = vector.broadcast %dot_general3A_32 : vector<64x1xf32> to vector<64x128xf32>
    %add3A_33 = arith.addf %add3A, %dot_general3A_23 : vector<64x128xf32>
    %jit3A = arith.constant -1.000000e+00 : f32
    %broadcast_in_dim3A_34 = vector.broadcast %jit3A : f32 to vector<64x128xf32>
    %select_n3A_35 = arith.select %ge3A_13, %add3A_33, %broadcast_in_dim3A_34 : vector<64x128xi1>, vector<64x128xf32>
    %reshape3A_36 = vector.shape_cast %select_n3A_35 : vector<64x128xf32> to vector<1x8192xf32>
    %iota3A_37 = tpu.iota {dimensions = array<i32: 1>} : vector<1x8192xi32>
    %mul3A = arith.constant 8192 : i32
    %mul3A_38 = arith.muli %arg0, %mul3A : i32
    %add3A_39 = vector.broadcast %mul3A_38 : i32 to vector<1x8192xi32>
    %add3A_40 = arith.addi %iota3A_37, %add3A_39 : vector<1x8192xi32>
    %convert_element_type3A_41 = arith.sitofp %add3A_40 : vector<1x8192xi32> to vector<1x8192xf32>
    %get3A_42 = arith.constant 0 : index
    %get3A_43 = arith.constant 0 : index
    %get3A_44 = arith.constant 0 : index
    %get3A_45 = vector.load %arg2[%get3A_42, %get3A_43, %get3A_44] : memref<1x4x8192xf32, #tpu.memory_space<vmem>>, vector<1x4x8192xf32>
    %get3A_46 = vector.shape_cast %get3A_45 : vector<1x4x8192xf32> to vector<4x8192xf32>
    %concatenate3A = tpu.concatenate %get3A_3, %convert_element_type3A_41, %get3A_46 in 0 : vector<1x8192xf32>, vector<1x8192xf32>, vector<4x8192xf32> -> vector<6x8192xf32>
    %iota3A_47 = tpu.iota {dimensions = array<i32: 0>} : vector<320x1024xi32>
    %convert_element_type3A_48 = arith.sitofp %iota3A_47 : vector<320x1024xi32> to vector<320x1024xf32>
    %broadcast_in_dim3A_49 = arith.constant 0.000000e+00 : f32
    %broadcast_in_dim3A_50 = vector.broadcast %broadcast_in_dim3A_49 : f32 to vector<320x6xf32>
    %slice3A = vector.extract_strided_slice %reshape3A_36 {offsets = [0, 0], sizes = [1, 1024], strides = [1, 1]} : vector<1x8192xf32> to vector<1x1024xf32>
    %eq3A = vector.broadcast %slice3A : vector<1x1024xf32> to vector<320x1024xf32>
    %eq3A_51 = arith.cmpf oeq, %convert_element_type3A_48, %eq3A : vector<320x1024xf32>
    %convert_element_type3A_52 = arith.extui %eq3A_51 : vector<320x1024xi1> to vector<320x1024xi32>
    %convert_element_type3A_53 = arith.sitofp %convert_element_type3A_52 : vector<320x1024xi32> to vector<320x1024xf32>
    %slice3A_54 = vector.extract_strided_slice %concatenate3A {offsets = [0, 0], sizes = [6, 1024], strides = [1, 1]} : vector<6x8192xf32> to vector<6x1024xf32>
    %dot_general3A_55 = arith.constant dense<0.000000e+00> : vector<320x6xf32>
    %dot_general3A_56 = tpu.matmul %convert_element_type3A_53, %slice3A_54, %dot_general3A_55 {dimension_numbers = #tpu.dot_dimension_numbers<[1], [1], [0], [0], [0, 0, 1, 0], [], []>, precision = #tpu.contract_precision<fp32>, transpose_lhs_hint = false} : vector<320x1024xf32>, vector<6x1024xf32>, vector<320x6xf32> -> vector<320x6xf32>
    %add3A_57 = arith.addf %broadcast_in_dim3A_50, %dot_general3A_56 : vector<320x6xf32>
    %slice3A_58 = vector.extract_strided_slice %reshape3A_36 {offsets = [0, 1024], sizes = [1, 1024], strides = [1, 1]} : vector<1x8192xf32> to vector<1x1024xf32>
    %eq3A_59 = vector.broadcast %slice3A_58 : vector<1x1024xf32> to vector<320x1024xf32>
    %eq3A_60 = arith.cmpf oeq, %convert_element_type3A_48, %eq3A_59 : vector<320x1024xf32>
    %convert_element_type3A_61 = arith.extui %eq3A_60 : vector<320x1024xi1> to vector<320x1024xi32>
    %convert_element_type3A_62 = arith.sitofp %convert_element_type3A_61 : vector<320x1024xi32> to vector<320x1024xf32>
    %slice3A_63 = vector.extract_strided_slice %concatenate3A {offsets = [0, 1024], sizes = [6, 1024], strides = [1, 1]} : vector<6x8192xf32> to vector<6x1024xf32>
    %dot_general3A_64 = arith.constant dense<0.000000e+00> : vector<320x6xf32>
    %dot_general3A_65 = tpu.matmul %convert_element_type3A_62, %slice3A_63, %dot_general3A_64 {dimension_numbers = #tpu.dot_dimension_numbers<[1], [1], [0], [0], [0, 0, 1, 0], [], []>, precision = #tpu.contract_precision<fp32>, transpose_lhs_hint = false} : vector<320x1024xf32>, vector<6x1024xf32>, vector<320x6xf32> -> vector<320x6xf32>
    %add3A_66 = arith.addf %add3A_57, %dot_general3A_65 : vector<320x6xf32>
    %slice3A_67 = vector.extract_strided_slice %reshape3A_36 {offsets = [0, 2048], sizes = [1, 1024], strides = [1, 1]} : vector<1x8192xf32> to vector<1x1024xf32>
    %eq3A_68 = vector.broadcast %slice3A_67 : vector<1x1024xf32> to vector<320x1024xf32>
    %eq3A_69 = arith.cmpf oeq, %convert_element_type3A_48, %eq3A_68 : vector<320x1024xf32>
    %convert_element_type3A_70 = arith.extui %eq3A_69 : vector<320x1024xi1> to vector<320x1024xi32>
    %convert_element_type3A_71 = arith.sitofp %convert_element_type3A_70 : vector<320x1024xi32> to vector<320x1024xf32>
    %slice3A_72 = vector.extract_strided_slice %concatenate3A {offsets = [0, 2048], sizes = [6, 1024], strides = [1, 1]} : vector<6x8192xf32> to vector<6x1024xf32>
    %dot_general3A_73 = arith.constant dense<0.000000e+00> : vector<320x6xf32>
    %dot_general3A_74 = tpu.matmul %convert_element_type3A_71, %slice3A_72, %dot_general3A_73 {dimension_numbers = #tpu.dot_dimension_numbers<[1], [1], [0], [0], [0, 0, 1, 0], [], []>, precision = #tpu.contract_precision<fp32>, transpose_lhs_hint = false} : vector<320x1024xf32>, vector<6x1024xf32>, vector<320x6xf32> -> vector<320x6xf32>
    %add3A_75 = arith.addf %add3A_66, %dot_general3A_74 : vector<320x6xf32>
    %slice3A_76 = vector.extract_strided_slice %reshape3A_36 {offsets = [0, 3072], sizes = [1, 1024], strides = [1, 1]} : vector<1x8192xf32> to vector<1x1024xf32>
    %eq3A_77 = vector.broadcast %slice3A_76 : vector<1x1024xf32> to vector<320x1024xf32>
    %eq3A_78 = arith.cmpf oeq, %convert_element_type3A_48, %eq3A_77 : vector<320x1024xf32>
    %convert_element_type3A_79 = arith.extui %eq3A_78 : vector<320x1024xi1> to vector<320x1024xi32>
    %convert_element_type3A_80 = arith.sitofp %convert_element_type3A_79 : vector<320x1024xi32> to vector<320x1024xf32>
    %slice3A_81 = vector.extract_strided_slice %concatenate3A {offsets = [0, 3072], sizes = [6, 1024], strides = [1, 1]} : vector<6x8192xf32> to vector<6x1024xf32>
    %dot_general3A_82 = arith.constant dense<0.000000e+00> : vector<320x6xf32>
    %dot_general3A_83 = tpu.matmul %convert_element_type3A_80, %slice3A_81, %dot_general3A_82 {dimension_numbers = #tpu.dot_dimension_numbers<[1], [1], [0], [0], [0, 0, 1, 0], [], []>, precision = #tpu.contract_precision<fp32>, transpose_lhs_hint = false} : vector<320x1024xf32>, vector<6x1024xf32>, vector<320x6xf32> -> vector<320x6xf32>
    %add3A_84 = arith.addf %add3A_75, %dot_general3A_83 : vector<320x6xf32>
    %slice3A_85 = vector.extract_strided_slice %reshape3A_36 {offsets = [0, 4096], sizes = [1, 1024], strides = [1, 1]} : vector<1x8192xf32> to vector<1x1024xf32>
    %eq3A_86 = vector.broadcast %slice3A_85 : vector<1x1024xf32> to vector<320x1024xf32>
    %eq3A_87 = arith.cmpf oeq, %convert_element_type3A_48, %eq3A_86 : vector<320x1024xf32>
    %convert_element_type3A_88 = arith.extui %eq3A_87 : vector<320x1024xi1> to vector<320x1024xi32>
    %convert_element_type3A_89 = arith.sitofp %convert_element_type3A_88 : vector<320x1024xi32> to vector<320x1024xf32>
    %slice3A_90 = vector.extract_strided_slice %concatenate3A {offsets = [0, 4096], sizes = [6, 1024], strides = [1, 1]} : vector<6x8192xf32> to vector<6x1024xf32>
    %dot_general3A_91 = arith.constant dense<0.000000e+00> : vector<320x6xf32>
    %dot_general3A_92 = tpu.matmul %convert_element_type3A_89, %slice3A_90, %dot_general3A_91 {dimension_numbers = #tpu.dot_dimension_numbers<[1], [1], [0], [0], [0, 0, 1, 0], [], []>, precision = #tpu.contract_precision<fp32>, transpose_lhs_hint = false} : vector<320x1024xf32>, vector<6x1024xf32>, vector<320x6xf32> -> vector<320x6xf32>
    %add3A_93 = arith.addf %add3A_84, %dot_general3A_92 : vector<320x6xf32>
    %slice3A_94 = vector.extract_strided_slice %reshape3A_36 {offsets = [0, 5120], sizes = [1, 1024], strides = [1, 1]} : vector<1x8192xf32> to vector<1x1024xf32>
    %eq3A_95 = vector.broadcast %slice3A_94 : vector<1x1024xf32> to vector<320x1024xf32>
    %eq3A_96 = arith.cmpf oeq, %convert_element_type3A_48, %eq3A_95 : vector<320x1024xf32>
    %convert_element_type3A_97 = arith.extui %eq3A_96 : vector<320x1024xi1> to vector<320x1024xi32>
    %convert_element_type3A_98 = arith.sitofp %convert_element_type3A_97 : vector<320x1024xi32> to vector<320x1024xf32>
    %slice3A_99 = vector.extract_strided_slice %concatenate3A {offsets = [0, 5120], sizes = [6, 1024], strides = [1, 1]} : vector<6x8192xf32> to vector<6x1024xf32>
    %dot_general3A_100 = arith.constant dense<0.000000e+00> : vector<320x6xf32>
    %dot_general3A_101 = tpu.matmul %convert_element_type3A_98, %slice3A_99, %dot_general3A_100 {dimension_numbers = #tpu.dot_dimension_numbers<[1], [1], [0], [0], [0, 0, 1, 0], [], []>, precision = #tpu.contract_precision<fp32>, transpose_lhs_hint = false} : vector<320x1024xf32>, vector<6x1024xf32>, vector<320x6xf32> -> vector<320x6xf32>
    %add3A_102 = arith.addf %add3A_93, %dot_general3A_101 : vector<320x6xf32>
    %slice3A_103 = vector.extract_strided_slice %reshape3A_36 {offsets = [0, 6144], sizes = [1, 1024], strides = [1, 1]} : vector<1x8192xf32> to vector<1x1024xf32>
    %eq3A_104 = vector.broadcast %slice3A_103 : vector<1x1024xf32> to vector<320x1024xf32>
    %eq3A_105 = arith.cmpf oeq, %convert_element_type3A_48, %eq3A_104 : vector<320x1024xf32>
    %convert_element_type3A_106 = arith.extui %eq3A_105 : vector<320x1024xi1> to vector<320x1024xi32>
    %convert_element_type3A_107 = arith.sitofp %convert_element_type3A_106 : vector<320x1024xi32> to vector<320x1024xf32>
    %slice3A_108 = vector.extract_strided_slice %concatenate3A {offsets = [0, 6144], sizes = [6, 1024], strides = [1, 1]} : vector<6x8192xf32> to vector<6x1024xf32>
    %dot_general3A_109 = arith.constant dense<0.000000e+00> : vector<320x6xf32>
    %dot_general3A_110 = tpu.matmul %convert_element_type3A_107, %slice3A_108, %dot_general3A_109 {dimension_numbers = #tpu.dot_dimension_numbers<[1], [1], [0], [0], [0, 0, 1, 0], [], []>, precision = #tpu.contract_precision<fp32>, transpose_lhs_hint = false} : vector<320x1024xf32>, vector<6x1024xf32>, vector<320x6xf32> -> vector<320x6xf32>
    %add3A_111 = arith.addf %add3A_102, %dot_general3A_110 : vector<320x6xf32>
    %slice3A_112 = vector.extract_strided_slice %reshape3A_36 {offsets = [0, 7168], sizes = [1, 1024], strides = [1, 1]} : vector<1x8192xf32> to vector<1x1024xf32>
    %eq3A_113 = vector.broadcast %slice3A_112 : vector<1x1024xf32> to vector<320x1024xf32>
    %eq3A_114 = arith.cmpf oeq, %convert_element_type3A_48, %eq3A_113 : vector<320x1024xf32>
    %convert_element_type3A_115 = arith.extui %eq3A_114 : vector<320x1024xi1> to vector<320x1024xi32>
    %convert_element_type3A_116 = arith.sitofp %convert_element_type3A_115 : vector<320x1024xi32> to vector<320x1024xf32>
    %slice3A_117 = vector.extract_strided_slice %concatenate3A {offsets = [0, 7168], sizes = [6, 1024], strides = [1, 1]} : vector<6x8192xf32> to vector<6x1024xf32>
    %dot_general3A_118 = arith.constant dense<0.000000e+00> : vector<320x6xf32>
    %dot_general3A_119 = tpu.matmul %convert_element_type3A_116, %slice3A_117, %dot_general3A_118 {dimension_numbers = #tpu.dot_dimension_numbers<[1], [1], [0], [0], [0, 0, 1, 0], [], []>, precision = #tpu.contract_precision<fp32>, transpose_lhs_hint = false} : vector<320x1024xf32>, vector<6x1024xf32>, vector<320x6xf32> -> vector<320x6xf32>
    %add3A_120 = arith.addf %add3A_111, %dot_general3A_119 : vector<320x6xf32>
    %iota3A_121 = tpu.iota {dimensions = array<i32: 0>} : vector<320x1xi32>
    %convert_element_type3A_122 = arith.sitofp %iota3A_121 : vector<320x1xi32> to vector<320x1xf32>
    %lt3A_123 = vector.broadcast %reduce_sum3A_18 : f32 to vector<320x1xf32>
    %lt3A_124 = arith.cmpf olt, %convert_element_type3A_122, %lt3A_123 : vector<320x1xf32>
    %slice3A_125 = vector.extract_strided_slice %add3A_120 {offsets = [0, 0], sizes = [320, 1], strides = [1, 1]} : vector<320x6xf32> to vector<320x1xf32>
    %jit3A_126 = arith.constant 0xFF800000 : f32
    %broadcast_in_dim3A_127 = vector.broadcast %jit3A_126 : f32 to vector<320x1xf32>
    %select_n3A_128 = arith.select %lt3A_124, %slice3A_125, %broadcast_in_dim3A_127 : vector<320x1xi1>, vector<320x1xf32>
    %slice3A_129 = vector.extract_strided_slice %add3A_120 {offsets = [0, 1], sizes = [320, 1], strides = [1, 1]} : vector<320x6xf32> to vector<320x1xf32>
    %jit3A_130 = arith.constant 2.621440e+05 : f32
    %broadcast_in_dim3A_131 = vector.broadcast %jit3A_130 : f32 to vector<320x1xf32>
    %select_n3A_132 = arith.select %lt3A_124, %slice3A_129, %broadcast_in_dim3A_131 : vector<320x1xi1>, vector<320x1xf32>
    %iota3A_133 = tpu.iota {dimensions = array<i32: 0>} : vector<320x320xi32>
    %iota3A_134 = tpu.iota {dimensions = array<i32: 1>} : vector<320x320xi32>
    %eq3A_135 = arith.cmpi eq, %iota3A_133, %iota3A_134 : vector<320x320xi32>
    %convert_element_type3A_136 = arith.extui %eq3A_135 : vector<320x320xi1> to vector<320x320xi32>
    %convert_element_type3A_137 = arith.sitofp %convert_element_type3A_136 : vector<320x320xi32> to vector<320x320xf32>
    %slice3A_138 = vector.extract_strided_slice %add3A_120 {offsets = [0, 0], sizes = [320, 1], strides = [1, 1]} : vector<320x6xf32> to vector<320x1xf32>
    %dot_general3A_139 = arith.constant dense<0.000000e+00> : vector<1x320xf32>
    %dot_general3A_140 = tpu.matmul %slice3A_138, %convert_element_type3A_137, %dot_general3A_139 {dimension_numbers = #tpu.dot_dimension_numbers<[0], [0], [1], [1], [0, 1, 1, 1], [], []>, precision = #tpu.contract_precision<fp32>, transpose_lhs_hint = false} : vector<320x1xf32>, vector<320x320xf32>, vector<1x320xf32> -> vector<1x320xf32>
    %slice3A_141 = vector.extract_strided_slice %add3A_120 {offsets = [0, 1], sizes = [320, 1], strides = [1, 1]} : vector<320x6xf32> to vector<320x1xf32>
    %dot_general3A_142 = arith.constant dense<0.000000e+00> : vector<1x320xf32>
    %dot_general3A_143 = tpu.matmul %slice3A_141, %convert_element_type3A_137, %dot_general3A_142 {dimension_numbers = #tpu.dot_dimension_numbers<[0], [0], [1], [1], [0, 1, 1, 1], [], []>, precision = #tpu.contract_precision<fp32>, transpose_lhs_hint = false} : vector<320x1xf32>, vector<320x320xf32>, vector<1x320xf32> -> vector<1x320xf32>
    %iota3A_144 = tpu.iota {dimensions = array<i32: 1>} : vector<1x320xi32>
    %convert_element_type3A_145 = arith.sitofp %iota3A_144 : vector<1x320xi32> to vector<1x320xf32>
    %lt3A_146 = vector.broadcast %reduce_sum3A_18 : f32 to vector<1x320xf32>
    %lt3A_147 = arith.cmpf olt, %convert_element_type3A_145, %lt3A_146 : vector<1x320xf32>
    %jit3A_148 = arith.constant 0xFF800000 : f32
    %broadcast_in_dim3A_149 = vector.broadcast %jit3A_148 : f32 to vector<1x320xf32>
    %select_n3A_150 = arith.select %lt3A_147, %dot_general3A_140, %broadcast_in_dim3A_149 : vector<1x320xi1>, vector<1x320xf32>
    %jit3A_151 = arith.constant 2.621440e+05 : f32
    %broadcast_in_dim3A_152 = vector.broadcast %jit3A_151 : f32 to vector<1x320xf32>
    %select_n3A_153 = arith.select %lt3A_147, %dot_general3A_143, %broadcast_in_dim3A_152 : vector<1x320xi1>, vector<1x320xf32>
    %gt3A = vector.broadcast %select_n3A_150 : vector<1x320xf32> to vector<320x320xf32>
    %gt3A_154 = vector.broadcast %select_n3A_128 : vector<320x1xf32> to vector<320x320xf32>
    %gt3A_155 = arith.cmpf ogt, %gt3A, %gt3A_154 : vector<320x320xf32>
    %eq3A_156 = vector.broadcast %select_n3A_150 : vector<1x320xf32> to vector<320x320xf32>
    %eq3A_157 = vector.broadcast %select_n3A_128 : vector<320x1xf32> to vector<320x320xf32>
    %eq3A_158 = arith.cmpf oeq, %eq3A_156, %eq3A_157 : vector<320x320xf32>
    %lt3A_159 = vector.broadcast %select_n3A_153 : vector<1x320xf32> to vector<320x320xf32>
    %lt3A_160 = vector.broadcast %select_n3A_132 : vector<320x1xf32> to vector<320x320xf32>
    %lt3A_161 = arith.cmpf olt, %lt3A_159, %lt3A_160 : vector<320x320xf32>
    %and3A = arith.andi %eq3A_158, %lt3A_161 : vector<320x320xi1>
    %or3A = arith.ori %gt3A_155, %and3A : vector<320x320xi1>
    %and3A_162 = vector.broadcast %lt3A_147 : vector<1x320xi1> to vector<320x320xi1>
    %and3A_163 = arith.andi %or3A, %and3A_162 : vector<320x320xi1>
    %convert_element_type3A_164 = arith.extui %and3A_163 : vector<320x320xi1> to vector<320x320xi32>
    %convert_element_type3A_165 = arith.sitofp %convert_element_type3A_164 : vector<320x320xi32> to vector<320x320xf32>
    %reduce_sum3A_166 = arith.constant dense<0.000000e+00> : vector<320xf32>
    %reduce_sum3A_167 = vector.multi_reduction <add>, %convert_element_type3A_165, %reduce_sum3A_166 [1] : vector<320x320xf32> to vector<320xf32>
    %broadcast_in_dim3A_168 = vector.shape_cast %reduce_sum3A_167 : vector<320xf32> to vector<320x1xf32>
    %jit3A_169 = arith.constant 3.200000e+02 : f32
    %broadcast_in_dim3A_170 = vector.broadcast %jit3A_169 : f32 to vector<320x1xf32>
    %select_n3A_171 = arith.select %lt3A_124, %broadcast_in_dim3A_168, %broadcast_in_dim3A_170 : vector<320x1xi1>, vector<320x1xf32>
    %iota3A_172 = tpu.iota {dimensions = array<i32: 1>} : vector<320x320xi32>
    %convert_element_type3A_173 = arith.sitofp %iota3A_172 : vector<320x320xi32> to vector<320x320xf32>
    %eq3A_174 = vector.broadcast %select_n3A_171 : vector<320x1xf32> to vector<320x320xf32>
    %eq3A_175 = arith.cmpf oeq, %eq3A_174, %convert_element_type3A_173 : vector<320x320xf32>
    %convert_element_type3A_176 = arith.extui %eq3A_175 : vector<320x320xi1> to vector<320x320xi32>
    %convert_element_type3A_177 = arith.sitofp %convert_element_type3A_176 : vector<320x320xi32> to vector<320x320xf32>
    %slice3A_178 = vector.extract_strided_slice %add3A_120 {offsets = [0, 2], sizes = [320, 4], strides = [1, 1]} : vector<320x6xf32> to vector<320x4xf32>
    %concatenate3A_179 = tpu.concatenate %select_n3A_132, %slice3A_178 in 1 : vector<320x1xf32>, vector<320x4xf32> -> vector<320x5xf32>
    %dot_general3A_180 = arith.constant dense<0.000000e+00> : vector<5x320xf32>
    %dot_general3A_181 = tpu.matmul %concatenate3A_179, %convert_element_type3A_177, %dot_general3A_180 {dimension_numbers = #tpu.dot_dimension_numbers<[0], [0], [1], [1], [0, 1, 1, 1], [], []>, precision = #tpu.contract_precision<fp32>, transpose_lhs_hint = false} : vector<320x5xf32>, vector<320x320xf32>, vector<5x320xf32> -> vector<5x320xf32>
    %slice3A_182 = vector.extract_strided_slice %dot_general3A_181 {offsets = [0, 0], sizes = [1, 320], strides = [1, 1]} : vector<5x320xf32> to vector<1x320xf32>
    %convert_element_type3A_183 = arith.fptosi %slice3A_182 : vector<1x320xf32> to vector<1x320xi32>
    %swap3A = arith.constant 0 : index
    %swap3A_184 = arith.constant 0 : index
    %swap3A_185 = arith.constant 0 : index
    %swap3A_186 = vector.load %arg4[%swap3A, %swap3A_184, %swap3A_185] : memref<1x1x320xi32, #tpu.memory_space<vmem>>, vector<1x1x320xi32>
    %swap3A_187 = vector.shape_cast %swap3A_186 : vector<1x1x320xi32> to vector<1x320xi32>
    %swap3A_188 = vector.shape_cast %convert_element_type3A_183 : vector<1x320xi32> to vector<1x1x320xi32>
    tpu.vector_store %arg4[%swap3A, %swap3A_184, %swap3A_185], %swap3A_188 {strides = array<i32>} : memref<1x1x320xi32, #tpu.memory_space<vmem>>, vector<1x1x320xi32>,
    %slice3A_189 = vector.extract_strided_slice %dot_general3A_181 {offsets = [1, 0], sizes = [4, 320], strides = [1, 1]} : vector<5x320xf32> to vector<4x320xf32>
    %swap3A_190 = arith.constant 0 : index
    %swap3A_191 = arith.constant 0 : index
    %swap3A_192 = arith.constant 0 : index
    %swap3A_193 = vector.load %arg5[%swap3A_190, %swap3A_191, %swap3A_192] : memref<1x4x320xf32, #tpu.memory_space<vmem>>, vector<1x4x320xf32>
    %swap3A_194 = vector.shape_cast %swap3A_193 : vector<1x4x320xf32> to vector<4x320xf32>
    %swap3A_195 = vector.shape_cast %slice3A_189 : vector<4x320xf32> to vector<1x4x320xf32>
    tpu.vector_store %arg5[%swap3A_190, %swap3A_191, %swap3A_192], %swap3A_195 {strides = array<i32>} : memref<1x4x320xf32, #tpu.memory_space<vmem>>, vector<1x4x320xf32>,
    %logistic3A = arith.negf %slice3A_189 : vector<4x320xf32>
    %logistic3A_196 = math.exp %logistic3A : vector<4x320xf32>
    %logistic3A_197 = arith.constant 1.000000e+00 : f32
    %logistic3A_198 = vector.broadcast %logistic3A_197 : f32 to vector<4x320xf32>
    %logistic3A_199 = arith.addf %logistic3A_198, %logistic3A_196 : vector<4x320xf32>
    %logistic3A_200 = arith.divf %logistic3A_198, %logistic3A_199 : vector<4x320xf32>
    %swap3A_201 = arith.constant 0 : index
    %swap3A_202 = arith.constant 0 : index
    %swap3A_203 = arith.constant 0 : index
    %swap3A_204 = vector.load %arg6[%swap3A_201, %swap3A_202, %swap3A_203] : memref<1x4x320xf32, #tpu.memory_space<vmem>>, vector<1x4x320xf32>
    %swap3A_205 = vector.shape_cast %swap3A_204 : vector<1x4x320xf32> to vector<4x320xf32>
    %swap3A_206 = vector.shape_cast %logistic3A_200 : vector<4x320xf32> to vector<1x4x320xf32>
    tpu.vector_store %arg6[%swap3A_201, %swap3A_202, %swap3A_203], %swap3A_206 {strides = array<i32>} : memref<1x4x320xf32, #tpu.memory_space<vmem>>, vector<1x4x320xf32>,
    return
  }
  func.func @transform_0(%arg0: i32) -> (i32, i32, i32) {
    %c0_i32 = arith.constant 0 : i32
    %c0_i32_0 = arith.constant 0 : i32
    %c0_i32_1 = arith.constant 0 : i32
    return %arg0, %c0_i32, %c0_i32_0 : i32, i32, i32
  }
  func.func @transform_1(%arg0: i32) -> (i32, i32, i32) {
    %c0_i32 = arith.constant 0 : i32
    %c0_i32_0 = arith.constant 0 : i32
    %c0_i32_1 = arith.constant 0 : i32
    return %arg0, %c0_i32, %c0_i32_0 : i32, i32, i32
  }
  func.func @transform_2(%arg0: i32) -> (i32, i32, i32) {
    %c0_i32 = arith.constant 0 : i32
    %c0_i32_0 = arith.constant 0 : i32
    %c0_i32_1 = arith.constant 0 : i32
    return %arg0, %c0_i32, %c0_i32_0 : i32, i32, i32
  }
  func.func @transform_3(%arg0: i32) -> (i32, i32, i32) {
    %c0_i32 = arith.constant 0 : i32
    %c0_i32_0 = arith.constant 0 : i32
    %c0_i32_1 = arith.constant 0 : i32
    return %arg0, %c0_i32, %c0_i32_0 : i32, i32, i32
  }
  func.func @transform_4(%arg0: i32) -> (i32, i32, i32) {
    %c0_i32 = arith.constant 0 : i32
    %c0_i32_0 = arith.constant 0 : i32
    %c0_i32_1 = arith.constant 0 : i32
    return %arg0, %c0_i32, %c0_i32_0 : i32, i32, i32
  }
  func.func @transform_5(%arg0: i32) -> (i32, i32, i32) {
    %c0_i32 = arith.constant 0 : i32
    %c0_i32_0 = arith.constant 0 : i32
    %c0_i32_1 = arith.constant 0 : i32
    return %arg0, %c0_i32, %c0_i32_0 : i32, i32, i32
  }
}

</mosaic_0001>

<sc_bundles>
// kernel: kernel.6.cloned.1.call-start
scs
__scs_entry_jumppad:
0x0: {  	(pc) =	sbr.rel $0x88, $3  }
0x1: {  	(tag) =	ssettag $0x0;
	lr =	simm.s32 $0x1  }
0x2: {  	[smem:$0x3F9E] =	sst lr;
	_ =	strace $0xD0000000  }
0x3: {  	_ = 	snop  }
0x4: {  	_ = 	snop  }
0x5: {  	_ = 	snop  }
0x6: {  	_ = 	snop  }
0x7: {  	_ = 	snop  }
__scs_overlays_trampoline_lowered:
0x8: {  	[smem:$0x3FAD] =	sst s0  }
0x9: {  	[smem:$0x3FAE] =	sst s1  }
0xa: {  	[smem:$0x3FAF] =	sst s2  }
0xb: {  	[smem:$0x3FB0] =	sst s3  }
0xc: {  	[smem:$0x3FB1] =	sst s4  }
0xd: {  	[smem:$0x3FB2] =	sst s5  }
0xe: {  	[smem:$0x3FB3] =	sst s6  }
0xf: {  	[smem:$0x3FB4] =	sst s7  }
0x10: {  	[smem:$0x3FB5] =	sst s8  }
0x11: {  	[smem:$0x3FB6] =	sst s9;
	s0 =	simm.s32 @!p0 $0x0  }
0x12: {  	s1 =	sld [smem:$0x3F9C];
	s0 =	simm.s32 @p0 $0x1  }
0x13: {  	[smem:$0x3FB7] =	sst s0;
	s0 =	simm.s32 @!p1 $0x0  }
0x14: {  	s2 =	sld [smem:$0x3F9B];
	s0 =	simm.s32 @p1 $0x1  }
0x15: {  	[smem:$0x3FB8] =	sst s0;
	s0 =	simm.s32 @!p2 $0x0  }
0x16: {  	s3 =	sld [smem:$0x3FDB];
	s0 =	simm.s32 @p2 $0x1  }
0x17: {  	s4 =	simm.s32 $0x1BF5;
	[smem:$0x3FBA] =	sst s0  }
0x18: {  	s0 =	sld [smem:$0x3F9D];
	_ =	swait.ge [sflag:s4], $0x0  }
0x19: {  	s7 =	sld [smem:$0x3F9E]  }
0x1a: {  	s8 =	sadd.s32 $0xFFFFE003, lr  }
0x1b: {  	s9 =	sadd.s32 $0xFFFFFEF7, lr;
	s5 =	simm.s32 $0xFFFFFFFF;
	p2 =	slt.u32 s8, $0xFFFFF086  }
0x1c: {  	p1 =	slt.u32 s9, $0xF7A;
	s5 =	simm.s32 @!p2 $0x0  }
0x1d: {  	s5 =	simm.s32 @p1 $0x1;
	p0 =	seq.s32 s7, s2  }
0x1e: {  	s7 =	smul.u32 @!p0 $0xF7A, s2;
	p2 =	seq.s32 @!p0 s5, $0x0  }
0x1f: {  	s9 =	smul.u32 $0xF7A, s1;
	s8 =	simm.s32 @!p0 $0x1BF5;
	p2 =	por !p2, p0  }
0x20: {  	[sflag:s8] =	ssyncset.s32 @!p0 $0xFFFFF086;
	s6 =	sadd.s32 @!p0 s3, s7;
	s7 =	simm.s32 @!p0 $0x108  }
0x21: {  	s3 =	sadd.s32 s3, s9;
	s6 =	sadd.s32 @!p0 $0x88, s6;
	s7 =	simm.s32 @p2 $0x1082  }
0x22: {  	[simem:s7], [sflag:s8] =	dma.local @!p0 [hbm:s6], $0xF7A  }
0x23: {  	s9 =	sor.u32 $0xD0000000, s2;
	s6 =	simm.s32 $0x108;
	_ =	swait.ge @!p0 [sflag:s8], $0x0  }
0x24: {  	s3 =	sadd.s32 $0x88, s3;
	s6 =	simm.s32 @!p1 $0x1082;
	[sflag:s4] =	ssyncset.s32 $0xFFFFF086  }
0x25: {  	[simem:s6], [sflag:s4] =	dma.local [hbm:s3], $0xF7A  }
0x26: {  	[smem:$0x3F9E] =	sst s1;
	(tag) =	ssettag s2;
	_ =	strace s9  }
0x27: {  	s1 =	sld [smem:$0x3FAE]  }
0x28: {  	s2 =	sld [smem:$0x3FAF]  }
0x29: {  	s4 =	sld [smem:$0x3FB1]  }
0x2a: {  	p0 =	seq.s32 s5, $0x0;
	s5 =	sld [smem:$0x3FB2]  }
0x2b: {  	s6 =	sld [smem:$0x3FB3]  }
0x2c: {  	s7 =	sld [smem:$0x3FB4]  }
0x2d: {  	s3 =	simm.s32 $0x108;
	s8 =	sld [smem:$0x3FB5]  }
0x2e: {  	s3 =	simm.s32 @!p0 $0x1082;
	s9 =	sld [smem:$0x3FB6]  }
0x2f: {  	lr =	sadd.s32 s0, s3;
	s0 =	sld [smem:$0x3FAD]  }
0x30: {  	s3 =	sld [smem:$0x3FB0]  }
0x31: {  	[smem:$0x3FB9] =	sst s10  }
0x32: {  	s10 =	sld [smem:$0x3FB7];
	_ =	sdelay $0x3  }
0x33: {  	p0 =	seq.s32 s10, $0x1;
	s10 =	sld [smem:$0x3FB9];
	_ =	sdelay $0x3  }
0x34: {  	[smem:$0x3FB9] =	sst s10  }
0x35: {  	s10 =	sld [smem:$0x3FB8];
	_ =	sdelay $0x3  }
0x36: {  	p1 =	seq.s32 s10, $0x1;
	s10 =	sld [smem:$0x3FB9];
	_ =	sdelay $0x3  }
0x37: {  	[smem:$0x3FB9] =	sst s10  }
0x38: {  	s10 =	sld [smem:$0x3FBA]  }
0x39: {  	_ = 	snop;
	(pc) =	sbr.ind lr, $3  }
0x3a: {  	_ = 	snop  }
0x3b: {  	_ = 	snop  }
0x3c: {  	p2 =	seq.s32 s10, $0x1;
	s10 =	sld [smem:$0x3FB9]  }
0x3d: {  	_ =	shalt  }
0x3e: {  	_ =	shalt  }
0x3f: {  	_ =	shalt  }
0x40: {  	_ =	shalt  }
0x41: {  	_ =	shalt  }
0x42: {  	_ =	shalt  }
0x43: {  	_ =	shalt  }
0x44: {  	_ =	shalt  }
0x45: {  	_ =	shalt  }
0x46: {  	_ =	shalt  }
0x47: {  	_ =	shalt  }
0x48: {  	_ =	shalt  }
0x49: {  	_ =	shalt  }
0x4a: {  	_ =	shalt  }
0x4b: {  	_ =	shalt  }
0x4c: {  	_ =	shalt  }
0x4d: {  	_ =	shalt  }
0x4e: {  	_ =	shalt  }
0x4f: {  	_ =	shalt  }
0x50: {  	_ =	shalt  }
0x51: {  	_ =	shalt  }
0x52: {  	_ =	shalt  }
0x53: {  	_ =	shalt  }
0x54: {  	_ =	shalt  }
0x55: {  	_ =	shalt  }
0x56: {  	_ =	shalt  }
0x57: {  	_ =	shalt  }
0x58: {  	_ =	shalt  }
0x59: {  	_ =	shalt  }
0x5a: {  	_ =	shalt  }
0x5b: {  	_ =	shalt  }
0x5c: {  	_ =	shalt  }
0x5d: {  	_ =	shalt  }
0x5e: {  	_ =	shalt  }
0x5f: {  	_ =	shalt  }
0x60: {  	_ =	shalt  }
0x61: {  	_ =	shalt  }
0x62: {  	_ =	shalt  }
0x63: {  	_ =	shalt  }
0x64: {  	_ =	shalt  }
0x65: {  	_ =	shalt  }
0x66: {  	_ =	shalt  }
0x67: {  	_ =	shalt  }
0x68: {  	_ =	shalt  }
0x69: {  	_ =	shalt  }
0x6a: {  	_ =	shalt  }
0x6b: {  	_ =	shalt  }
0x6c: {  	_ =	shalt  }
0x6d: {  	_ =	shalt  }
0x6e: {  	_ =	shalt  }
0x6f: {  	_ =	shalt  }
0x70: {  	_ =	shalt  }
0x71: {  	_ =	shalt  }
0x72: {  	_ =	shalt  }
0x73: {  	_ =	shalt  }
0x74: {  	_ =	shalt  }
0x75: {  	_ =	shalt  }
0x76: {  	_ =	shalt  }
0x77: {  	_ =	shalt  }
0x78: {  	_ =	shalt  }
0x79: {  	_ =	shalt  }
0x7a: {  	_ =	shalt  }
0x7b: {  	_ =	shalt  }
0x7c: {  	_ =	shalt  }
0x7d: {  	_ =	shalt  }
0x7e: {  	_ =	shalt  }
0x7f: {  	_ =	shalt  }
0x80: {  	_ =	shalt  }
0x81: {  	_ =	shalt  }
0x82: {  	_ =	shalt  }
0x83: {  	_ =	shalt  }
0x84: {  	_ =	shalt  }
0x85: {  	_ =	shalt  }
0x86: {  	_ =	shalt  }
0x87: {  	_ =	shalt  }
.Lfunc_end0:
.L_simem_size_0:
called_computation_lowered:
.L_overlay_start_0:
0x88: {  	s2 =	sld [smem:$0x3FD9]  }
0x89: {  	s3 =	sld [smem:$0x3FFE];
	_ =	sdelay $0x1  }
0x8a: {  	s1 =	srdreg.scid  }
0x8b: {  	s0 =	sand.u32 $0x1, s1  }
0x8c: {  	s14 =	sshll.u32 s0, $0xA;
	s2 =	sadd.s32 s3, s2  }
0x8d: {  	s2 =	sadd.s32 s2, s14  }
0x8e: {  	[smem:$0x3FC5] =	sst s2  }
0x8f: {  	_ = 	snop  }
0x90: {  	s2 =	sld [smem:$0x3FD0];
	_ =	sdelay $0x2  }
0x91: {  	s4 =	simm.s32 $0xA;
	s5 =	simm.s32 $0x10;
	s15 =	sld [smem:$0x3FC7]  }
0x92: {  	[smem:s5], [sflag:s4] =	dma.local [hbm:s2], $0x1  }
0x93: {  	_ =	swait.eq [sflag:s4], $0x1  }
0x94: {  	[sflag:s4] =	ssyncset.done $0x0  }
0x95: {  	[sflag:s4] =	ssyncadd.s32 $0xFFFFFFFF  }
0x96: {  	s16 =	sld [smem:$0x12];
	(tm) =	ssettm $0x1  }
0x97: {  	s17 =	sld [smem:$0x3FFB];
	_ =	sdelay $0x3  }
0x98: {  	_ =	strace s17  }
0x99: {  	s4 =	sld [smem:$0x3FFC];
	_ =	sdelay $0x3  }
0x9a: {  	_ =	strace s4  }
0x9b: {  	s4 =	sld [smem:$0x3FFD];
	_ =	sdelay $0x3  }
0x9c: {  	_ =	strace s4  }
0x9d: {  	_ =	strace $0x8FFFFFFF  }
0x9e: {  	s18 =	sld [smem:$0x3FDB];
	_ =	sdelay $0x1  }
0x9f: {  	s19 =	simm.s32 $_scs_section_size  }
0xa0: {  	s6 =	simm.s32 $_size__tile_overlayer_lowered;
	s7 =	simm.s32 $_tile_overlayer_lowered  }
0xa1: {  	s22 =	simm.s32 $0x1BFF;
	s21 =	sshll.u32 s7, $0x1;
	s4 =	sadd.s32 s19, s18  }
0xa2: {  	s8 =	simm.s32 $0x0;
	s20 =	sshll.u32 s6, $0x1;
	s6 =	sadd.s32 s21, s4  }
0xa3: {  	[timem:s8], [sflag:s22] =	dma.local [hbm:s6], s20  }
0xa4: {  	_ =	swait.ge [sflag:s22], s20  }
0xa5: {  	s5 =	ssub.s32 $0x0, s20;
	[sflag:s22] =	ssyncset.done $0x0  }
0xa6: {  	[sflag:s22] =	ssyncadd.s32 s5;
	_ =	sdelay $0x1  }
0xa7: {  	s23 =	simm.s32 $0x1B8B  }
0xa8: {  	_ =	swait.ge [sflag:s23], $0x1  }
0xa9: {  	[sflag:s23] =	ssyncset.done $0x0  }
0xaa: {  	s25 =	simm.s32 $0x1B8E;
	s24 =	sld [smem:$0x3FFE];
	[sflag:s23] =	ssyncadd.s32 $0xFFFFFFFF  }
0xab: {  	s26 =	simm.s32 $execute0_lowered;
	[smem:$0x3FD2] =	sst s25  }
0xac: {  	s6 =	sshll.u32 s26, $0x1;
	_ =	strace $0x80000046;
	[dreg:$0x1] =	wrdreg $0xFFFFFFFF  }
0xad: {  	s28 =	simm.s32 $_size_execute0_lowered;
	s4 =	sadd.s32 s4, s6;
	[dreg:$0x0] =	wrdreg $0x0  }
0xae: {  	s6 =	sshll.u32 s28, $0x1;
	[dreg:$0x2] =	wrdreg s4  }
0xaf: {  	[dreg:$0x3] =	wrdreg s6  }
0xb0: {  	[dreg:$0x4] =	wrdreg $0xC0  }
0xb1: {  	_ =	task [dreg:s8], $0x5FFFF  }
0xb2: {  	[dreg:$0x1] =	wrdreg $0xFFFFFFFF  }
0xb3: {  	[dreg:$0x0] =	wrdreg $0x60  }
0xb4: {  	[dreg:$0x2] =	wrdreg s16  }
0xb5: {  	[dreg:$0x3] =	wrdreg s24  }
0xb6: {  	[dreg:$0x4] =	wrdreg s15  }
0xb7: {  	[dreg:$0x5] =	wrdreg $0x9  }
0xb8: {  	_ =	task.clear_ibuf [dreg:s8], $0x6FFFF;
	_ =	strace $0x90000046  }
0xb9: {  	s29 =	simm.s32 $0x9;
	_ =	strace $0x80000048  }
0xba: {  	_ =	swait.ge [sflag:s29], $0x1  }
0xbb: {  	[sflag:s29] =	ssyncadd.s32 $0xFFFFFFFF  }
0xbc: {  	_ =	strace $0x90000048  }
0xbd: {  	_ =	sfence  }
0xbe: {  	s30 =	sld [smem:$0x0];
	_ =	sdelay $0x2  }
0xbf: {  	s31 =	sshll.u32 s1, $0xD;
	s1 =	sshrl.u32 s1, $0x2  }
0xc0: {  	s3 =	sand.u32 $0x4000, s31;
	s1 =	sadd.s32 s1, s30  }
0xc1: {  	s0 =	sor.u32 s3, s0;
	s1 =	sshll.u32 s1, $0x11  }
0xc2: {  	s0 =	sor.u32 s1, s0  }
0xc3: {  	s0 =	sadd.s32 $0x8F2B, s0  }
0xc4: {  	[sflag:s0] =	ssyncadd.remote.s32 $0x1  }
0xc5: {  	_ =	sfence.sel $0xFFFF  }
0xc6: {  	[dreg:$0x0] =	wrdreg $0xFFFFFFFF;
	(pc) =	sbr.abs _section_cstart, $3  }
0xc7: {  	[dreg:$0x1] =	wrdreg $0xFFFFFFFF  }
0xc8: {  	_ =	task.clear_ibuf [dreg:s8], $0x2FFFF;
	_ =	strace $0x9FFFFFFF  }
0xc9: {  	(tm) =	ssettm $0x7FFFFFFF  }
tec
execute0_lowered:
.L_overlay_start_1:
0x0: {  	(tag) =	ssettag $0x1  }
0x1: {  	s1 =	srdreg.scid;
	s4 =	rddreg [dreg:$0x0]  }
0x2: {  	s0 =	stileid.u32;
	s5 =	rddreg [dreg:$0x1];
	s3 =	simm.s32 $0x0  }
0x3: {  	s9 =	simm.s32 $0x5100;
	s10 =	simm.s32 $0x5900;
	s11 =	simm.s32 $0x6100  }
0x4: {  	s12 =	simm.s32 $0x6900;
	s13 =	simm.s32 $0x7100;
	s14 =	simm.s32 $0x7900  }
0x5: {  	s15 =	simm.s32 $0x8100;
	s16 =	simm.s32 $0x8900;
	s17 =	simm.s32 $0x9100  }
0x6: {  	s18 =	simm.s32 $0x9900;
	s19 =	simm.s32 $0x2900;
	s20 =	simm.s32 $0xA100  }
0x7: {  	s21 =	simm.s32 $0xA900;
	s22 =	simm.s32 $0xB100;
	s23 =	simm.s32 $0xB900  }
0x8: {  	s28 =	simm.s32 $0xD900;
	s1 =	sand.u32 $0x1, s1;
	s2 =	sshll.u32 s0, $0x1  }
0x9: {  	s29 =	simm.s32 $0xE100;
	s30 =	simm.s32 $0xE900;
	s6 =	sor.u32 s1, s2  }
0xa: {  	s31 =	simm.s32 $0x1;
	[smem:$0x7FF] =	sst s3;
	s7 =	smul.u32 $0xA00, s6  }
0xb: {  	s2 =	rddreg [dreg:$0x2];
	s1 =	ssub.s32 $0x2, s1;
	s8 =	smul.u32 $0x1400, s6  }
0xc: {  	_ =	strace $0x80000047;
	s6 =	smul.u32 $0x14, s6;
	s25 =	sshrl.u32 s1, $0x1  }
0xd: {  	s1 =	ssub.s32 s1, s25;
	s25 =	simm.s32 $0xC900;
	s7 =	sadd.s32 s7, s5  }
0xe: {  	s8 =	sadd.s32 s8, s5;
	s4 =	sadd.s32 s4, s6;
	s6 =	simm.s32 $0x3  }
0xf: {  	[dreg:$0x4] =	wrdreg s4;
	s24 =	sadd.s32 $0x28600, s7;
	s26 =	sadd.s32 $0x600, s8  }
0x10: {  	v2 =	vlaneseq.u32;
	s4 =	sadd.s32 $0x200600, s5;
	s5 =	smax.u32 s1, $0x1;
	s7 =	simm.s32 $0x50  }
0x11: {  	vm0 =	vmmov $0xffff;
	v1 =	vshrl.u32 v2, $0x3;
	s8 =	simm.s32 $0x100;
	s1 =	simm.s32 $0x2;
	[dreg:$0x5] =	wrdreg s24  }
0x12: {  	v0 =	vand.u32 $0x7, v2;
	v2 =	vor.u32 $0x8, v2;
	v1 =	vmul.u32 $0x8, v1;
	[dreg:$0x6] =	wrdreg s26;
	s24 =	simm.s32 $0xC100;
	s26 =	simm.s32 $0xD100  }
.LBB2_1:
0x13: {  	s0 =	rddreg [dreg:$0x4]  }
0x14: {  	[tilespmem:s3], [sflag:$0x3] =	stream.linear.gather [hbm4b:s0+s3], $0xA0, $0x38;
	[tilespmem:$0xF100] =	vst v63  }
0x15: {  	_ =	swait.ge [sflag:s6], $0xA0  }
0x16: {  	[sflag:s6] =	ssyncset.done $0x0  }
0x17: {  	[sflag:s6] =	ssyncadd.s32 $0xFFFFFF60  }
0x18: {  	[tilespmem:s8], [sflag:$0x1] =	stream.indirect.gather [hbm4b:s4+s7], $0x80, s3, s7, $0xb8;
	[tilespmem:$0xF100] =	vst v63  }
0x19: {  	v3 =	vld [tilespmem:$0x0];
	_ =	sdelay $0x4  }
0x1a: {  	v4 =	vshll.u32 v3, $0x1  }
0x1b: {  	v3 =	vand.u32 $0x7, v3;
	v4 =	vand.u32 $0xFFFFFFF0, v4  }
0x1c: {  	v3 =	vor.u32 v3, v4  }
0x1d: {  	v4 =	vperm.xlane v3, v0;
	_ =	sdelay $0x1  }
0x1e: {  	v3 =	vperm.xlane v3, v2;
	v4 =	vadd.s32 v1, v4;
	_ =	sdelay $0x1  }
0x1f: {  	v3 =	vadd.s32 v1, v3;
	_ =	sdelay $0x2  }
0x20: {  	[tilespmem:s9], [sflag:$0x2] =	stream.indirect_vreg.gather [hbm4b:s2+s3], $0x80, v4, vm0, $0xb8;
	[tilespmem:$0xF100] =	vst v63  }
0x21: {  	_ = 	snop  }
0x22: {  	[tilespmem:s10], [sflag:$0x2] =	stream.indirect_vreg.gather [hbm4b:s2+s3], $0x80, v3, vm0, $0xb8;
	[tilespmem:$0xF100] =	vst v63  }
0x23: {  	v3 =	vld [tilespmem:$0x10];
	_ =	sdelay $0x4  }
0x24: {  	v55 =	vshll.u32 v3, $0x1  }
0x25: {  	v3 =	vand.u32 $0x7, v3;
	v4 =	vand.u32 $0xFFFFFFF0, v55  }
0x26: {  	v3 =	vor.u32 v3, v4  }
0x27: {  	v4 =	vperm.xlane v3, v0;
	_ =	sdelay $0x1  }
0x28: {  	v3 =	vperm.xlane v3, v2;
	v4 =	vadd.s32 v1, v4;
	_ =	sdelay $0x1  }
0x29: {  	v3 =	vadd.s32 v1, v3;
	_ =	sdelay $0x2  }
0x2a: {  	[tilespmem:s11], [sflag:$0x2] =	stream.indirect_vreg.gather [hbm4b:s2+s3], $0x80, v4, vm0, $0xb8;
	[tilespmem:$0xF100] =	vst v63  }
0x2b: {  	_ = 	snop  }
0x2c: {  	[tilespmem:s12], [sflag:$0x2] =	stream.indirect_vreg.gather [hbm4b:s2+s3], $0x80, v3, vm0, $0xb8;
	[tilespmem:$0xF100] =	vst v63  }
0x2d: {  	v3 =	vld [tilespmem:$0x20];
	_ =	sdelay $0x4  }
0x2e: {  	v56 =	vshll.u32 v3, $0x1  }
0x2f: {  	v3 =	vand.u32 $0x7, v3;
	v4 =	vand.u32 $0xFFFFFFF0, v56  }
0x30: {  	v3 =	vor.u32 v3, v4  }
0x31: {  	v4 =	vperm.xlane v3, v0;
	_ =	sdelay $0x1  }
0x32: {  	v3 =	vperm.xlane v3, v2;
	v4 =	vadd.s32 v1, v4;
	_ =	sdelay $0x1  }
0x33: {  	v3 =	vadd.s32 v1, v3;
	_ =	sdelay $0x2  }
0x34: {  	[tilespmem:s13], [sflag:$0x2] =	stream.indirect_vreg.gather [hbm4b:s2+s3], $0x80, v4, vm0, $0xb8;
	[tilespmem:$0xF100] =	vst v63  }
0x35: {  	_ = 	snop  }
0x36: {  	[tilespmem:s14], [sflag:$0x2] =	stream.indirect_vreg.gather [hbm4b:s2+s3], $0x80, v3, vm0, $0xb8;
	[tilespmem:$0xF100] =	vst v63  }
0x37: {  	v3 =	vld [tilespmem:$0x30];
	_ =	sdelay $0x4  }
0x38: {  	v57 =	vshll.u32 v3, $0x1  }
0x39: {  	v3 =	vand.u32 $0x7, v3;
	v4 =	vand.u32 $0xFFFFFFF0, v57  }
0x3a: {  	v3 =	vor.u32 v3, v4  }
0x3b: {  	v4 =	vperm.xlane v3, v0;
	_ =	sdelay $0x1  }
0x3c: {  	v3 =	vperm.xlane v3, v2;
	v4 =	vadd.s32 v1, v4;
	_ =	sdelay $0x1  }
0x3d: {  	v3 =	vadd.s32 v1, v3;
	_ =	sdelay $0x2  }
0x3e: {  	[tilespmem:s15], [sflag:$0x2] =	stream.indirect_vreg.gather [hbm4b:s2+s3], $0x80, v4, vm0, $0xb8;
	[tilespmem:$0xF100] =	vst v63  }
0x3f: {  	_ = 	snop  }
0x40: {  	[tilespmem:s16], [sflag:$0x2] =	stream.indirect_vreg.gather [hbm4b:s2+s3], $0x80, v3, vm0, $0xb8;
	[tilespmem:$0xF100] =	vst v63  }
0x41: {  	v3 =	vld [tilespmem:$0x40];
	_ =	sdelay $0x4  }
0x42: {  	v58 =	vshll.u32 v3, $0x1  }
0x43: {  	v3 =	vand.u32 $0x7, v3;
	v4 =	vand.u32 $0xFFFFFFF0, v58  }
0x44: {  	v3 =	vor.u32 v3, v4  }
0x45: {  	v4 =	vperm.xlane v3, v0;
	_ =	sdelay $0x1  }
0x46: {  	v3 =	vperm.xlane v3, v2;
	v4 =	vadd.s32 v1, v4;
	_ =	sdelay $0x1  }
0x47: {  	v3 =	vadd.s32 v1, v3;
	_ =	sdelay $0x2  }
0x48: {  	[tilespmem:s17], [sflag:$0x2] =	stream.indirect_vreg.gather [hbm4b:s2+s3], $0x80, v4, vm0, $0xb8;
	[tilespmem:$0xF100] =	vst v63  }
0x49: {  	_ = 	snop  }
0x4a: {  	[tilespmem:s18], [sflag:$0x2] =	stream.indirect_vreg.gather [hbm4b:s2+s3], $0x80, v3, vm0, $0xb8;
	[tilespmem:$0xF100] =	vst v63  }
0x4b: {  	_ = 	snop  }
0x4c: {  	[tilespmem:s19], [sflag:$0x1] =	stream.indirect.gather [hbm4b:s4+s7], $0x80, s7, s7, $0xb8;
	[tilespmem:$0xF100] =	vst v63  }
0x4d: {  	v3 =	vld [tilespmem:$0x50];
	_ =	sdelay $0x4  }
0x4e: {  	v59 =	vshll.u32 v3, $0x1  }
0x4f: {  	v3 =	vand.u32 $0x7, v3;
	v4 =	vand.u32 $0xFFFFFFF0, v59  }
0x50: {  	v3 =	vor.u32 v3, v4  }
0x51: {  	v4 =	vperm.xlane v3, v0;
	_ =	sdelay $0x1  }
0x52: {  	v3 =	vperm.xlane v3, v2;
	v4 =	vadd.s32 v1, v4;
	_ =	sdelay $0x1  }
0x53: {  	v3 =	vadd.s32 v1, v3;
	_ =	sdelay $0x2  }
0x54: {  	[tilespmem:s20], [sflag:$0x2] =	stream.indirect_vreg.gather [hbm4b:s2+s3], $0x80, v4, vm0, $0xb8;
	[tilespmem:$0xF100] =	vst v63  }
0x55: {  	_ = 	snop  }
0x56: {  	[tilespmem:s21], [sflag:$0x2] =	stream.indirect_vreg.gather [hbm4b:s2+s3], $0x80, v3, vm0, $0xb8;
	[tilespmem:$0xF100] =	vst v63  }
0x57: {  	v3 =	vld [tilespmem:$0x60];
	_ =	sdelay $0x4  }
0x58: {  	v60 =	vshll.u32 v3, $0x1  }
0x59: {  	v3 =	vand.u32 $0x7, v3;
	v4 =	vand.u32 $0xFFFFFFF0, v60  }
0x5a: {  	v3 =	vor.u32 v3, v4  }
0x5b: {  	v4 =	vperm.xlane v3, v0;
	_ =	sdelay $0x1  }
0x5c: {  	v3 =	vperm.xlane v3, v2;
	v4 =	vadd.s32 v1, v4;
	_ =	sdelay $0x1  }
0x5d: {  	v3 =	vadd.s32 v1, v3;
	_ =	sdelay $0x2  }
0x5e: {  	[tilespmem:s22], [sflag:$0x2] =	stream.indirect_vreg.gather [hbm4b:s2+s3], $0x80, v4, vm0, $0xb8;
	[tilespmem:$0xF100] =	vst v63  }
0x5f: {  	_ = 	snop  }
0x60: {  	[tilespmem:s23], [sflag:$0x2] =	stream.indirect_vreg.gather [hbm4b:s2+s3], $0x80, v3, vm0, $0xb8;
	[tilespmem:$0xF100] =	vst v63  }
0x61: {  	v3 =	vld [tilespmem:$0x70];
	_ =	sdelay $0x4  }
0x62: {  	v61 =	vshll.u32 v3, $0x1  }
0x63: {  	v3 =	vand.u32 $0x7, v3;
	v4 =	vand.u32 $0xFFFFFFF0, v61  }
0x64: {  	v3 =	vor.u32 v3, v4  }
0x65: {  	v4 =	vperm.xlane v3, v0;
	_ =	sdelay $0x1  }
0x66: {  	v3 =	vperm.xlane v3, v2;
	v4 =	vadd.s32 v1, v4;
	_ =	sdelay $0x1  }
0x67: {  	v3 =	vadd.s32 v1, v3;
	_ =	sdelay $0x2  }
0x68: {  	[tilespmem:s24], [sflag:$0x2] =	stream.indirect_vreg.gather [hbm4b:s2+s3], $0x80, v4, vm0, $0xb8;
	[tilespmem:$0xF100] =	vst v63  }
0x69: {  	_ = 	snop  }
0x6a: {  	[tilespmem:s25], [sflag:$0x2] =	stream.indirect_vreg.gather [hbm4b:s2+s3], $0x80, v3, vm0, $0xb8;
	[tilespmem:$0xF100] =	vst v63  }
0x6b: {  	v3 =	vld [tilespmem:$0x80];
	_ =	sdelay $0x4  }
0x6c: {  	v62 =	vshll.u32 v3, $0x1  }
0x6d: {  	v3 =	vand.u32 $0x7, v3;
	v4 =	vand.u32 $0xFFFFFFF0, v62  }
0x6e: {  	v3 =	vor.u32 v3, v4  }
0x6f: {  	v4 =	vperm.xlane v3, v0;
	_ =	sdelay $0x1  }
0x70: {  	v3 =	vperm.xlane v3, v2;
	v4 =	vadd.s32 v1, v4;
	_ =	sdelay $0x1  }
0x71: {  	v3 =	vadd.s32 v1, v3;
	_ =	sdelay $0x2  }
0x72: {  	[tilespmem:s26], [sflag:$0x2] =	stream.indirect_vreg.gather [hbm4b:s2+s3], $0x80, v4, vm0, $0xb8;
	[tilespmem:$0xF100] =	vst v63  }
0x73: {  	_ = 	snop  }
0x74: {  	[tilespmem:s28], [sflag:$0x2] =	stream.indirect_vreg.gather [hbm4b:s2+s3], $0x80, v3, vm0, $0xb8;
	[tilespmem:$0xF100] =	vst v63  }
0x75: {  	v3 =	vld [tilespmem:$0x90];
	_ =	sdelay $0x4  }
0x76: {  	v63 =	vshll.u32 v3, $0x1  }
0x77: {  	v3 =	vand.u32 $0x7, v3;
	v4 =	vand.u32 $0xFFFFFFF0, v63  }
0x78: {  	v3 =	vor.u32 v3, v4  }
0x79: {  	v4 =	vperm.xlane v3, v0;
	_ =	sdelay $0x1  }
0x7a: {  	v3 =	vperm.xlane v3, v2;
	v4 =	vadd.s32 v1, v4;
	_ =	sdelay $0x1  }
0x7b: {  	v3 =	vadd.s32 v1, v3;
	_ =	sdelay $0x2  }
0x7c: {  	[tilespmem:s29], [sflag:$0x2] =	stream.indirect_vreg.gather [hbm4b:s2+s3], $0x80, v4, vm0, $0xb8;
	[tilespmem:$0xF100] =	vst v63  }
0x7d: {  	_ = 	snop  }
0x7e: {  	[tilespmem:s30], [sflag:$0x2] =	stream.indirect_vreg.gather [hbm4b:s2+s3], $0x80, v3, vm0, $0xb8;
	[tilespmem:$0xF100] =	vst v63  }
0x7f: {  	_ =	swait.ge [sflag:s31], $0x2800  }
0x80: {  	[sflag:s31] =	ssyncset.done $0x0  }
0x81: {  	[sflag:s31] =	ssyncadd.s32 $0xFFFFD800  }
0x82: {  	_ =	swait.ge [sflag:s1], $0x5000  }
0x83: {  	[sflag:s1] =	ssyncset.done $0x0  }
0x84: {  	[sflag:s1] =	ssyncadd.s32 $0xFFFFB000  }
0x85: {  	_ =	swait.ge [sflag:s31], $0x2800  }
0x86: {  	[sflag:s31] =	ssyncset.done $0x0  }
0x87: {  	[sflag:s31] =	ssyncadd.s32 $0xFFFFD800  }
0x88: {  	_ =	swait.ge [sflag:s1], $0x5000  }
0x89: {  	[sflag:s1] =	ssyncset.done $0x0  }
0x8a: {  	s0 =	rddreg [dreg:$0x5];
	[sflag:s1] =	ssyncadd.s32 $0xFFFFB000  }
0x8b: {  	[hbm4b:s0+s3] =	stream.linear.scatter [tilespmem:s8], [sflag:$0x3], $0x5000, $0x38;
	[tilespmem:$0xF100] =	vst v63  }
0x8c: {  	_ =	swait.ge [sflag:s6], $0x5000  }
0x8d: {  	p0 =	sne.s32 s5, $0x1;
	[sflag:s6] =	ssyncset.done $0x0  }
.Ltmp0:
0x8e: {  	s0 =	rddreg [dreg:$0x6];
	[sflag:s6] =	ssyncadd.s32 $0xFFFFB000;
	(pc) =	sbr.rel @p0 .LBB2_1-.Ltmp0, $4  }
0x8f: {  	[hbm4b:s0+s3] =	stream.linear.scatter [tilespmem:s9], [sflag:$0x3], $0xA000, $0x38;
	[tilespmem:$0xF100] =	vst v63  }
0x90: {  	_ =	swait.ge [sflag:s6], $0xA000  }
0x91: {  	[sflag:s6] =	ssyncset.done $0x0  }
0x92: {  	s5 =	sadd.s32 $0xFFFFFFFF, s5;
	[sflag:s6] =	ssyncadd.s32 $0xFFFF6000  }
0x93: {  	_ =	sfence.sel $0x180000  }
0x94: {  	[bflag:$0x0] =	sbarrier.arrive $0xFFFF  }
0x95: {  	_ =	strace $0x90000047  }
0x96: {  	s0 =	stileid.u32;
	[bflag:$0x2] =	sbarrier.arrive $0xFFFF  }
0x97: {  	p0 =	sne.s32 s0, $0x0;
	s0 =	rddreg [dreg:$0x3]  }
0x98: {  	s0 =	sadd.s32 @!p0 $0x100000, s0  }
0x99: {  	[sflag:s0] =	ssyncadd.tile.s32 @!p0 $0x1;
	_ =	shalt  }
.Lfunc_end2:
_tile_overlayer_lowered:
.L_overlay_start_2:
0x9a: {  	(tag) =	ssettag $0x2  }
0x9b: {  	s0 =	rddreg [dreg:$0x0];
	s2 =	stileid.u32  }
0x9c: {  	s1 =	rddreg [dreg:$0x1];
	p0 =	sne.s32 s2, $0x0  }
0x9d: {  	s3 =	rddreg [dreg:$0x2];
	[bflag:$0x3] =	sbarrier.arrive $0xFFFF;
	s2 =	simm.s32 @!p0 $0x1C03  }
0x9e: {  	[timem:s3], [sflag:s2] =	dma.local @!p0 [hbm:s0], s1  }
0x9f: {  	s0 =	simm.s32 @!p0 $0x3  }
0xa0: {  	_ =	swait.ge @!p0 [sflag:s0], s1  }
0xa1: {  	s1 =	ssub.s32 @!p0 $0x0, s1;
	[sflag:s0] =	ssyncset.done @!p0 $0x0  }
0xa2: {  	[sflag:s0] =	ssyncadd.s32 @!p0 s1  }
0xa3: {  	[bflag:$0x3] =	sbarrier.arrive $0xFFFF  }
0xa4: {  	_ =	shalt  }

</sc_bundles>
